<compile_context>
chip_gen: v7x
topology: tpu7x:2x2x1
jax: 0.10.2.dev20260603
libtpu: 0.0.44.dev20260713+nightly
codegen_flags: <defaults>
</compile_context>

<pallas_src>
import functools

import jax
import jax.numpy as jnp
from jax import lax
from jax.experimental import pallas as pl
from jax.experimental.pallas import tpu as pltpu
from jax.experimental.pallas import tpu_sc as plsc

N_NODES = 10000
D_FEAT = 512
N_EDGES = 160000

NC = 2
NS = 16
L = 16
NW = NC * NS
G = N_EDGES // L
NG_BIG = 313
NG_SMALL = 312
E_BIG = NG_BIG * L
E_SMALL = NG_SMALL * L
D_VECS = D_FEAT // L

_mesh = plsc.VectorSubcoreMesh(core_axis_name="c", subcore_axis_name="s")


@functools.partial(
    pl.kernel,
    out_type=jax.ShapeDtypeStruct((N_EDGES,), jnp.float32),
    mesh=_mesh,
    compiler_params=pltpu.CompilerParams(needs_layout_passes=False),
    scratch_types=[
        pltpu.VMEM((E_BIG,), jnp.int32),
        pltpu.VMEM((E_BIG,), jnp.int32),
        pltpu.VMEM((E_BIG,), jnp.float32),
        pltpu.VMEM((2, L, D_FEAT), jnp.float32),
        pltpu.VMEM((2, L, D_FEAT), jnp.float32),
        pltpu.SemaphoreType.DMA((2,)),
        pltpu.SemaphoreType.DMA((2,)),
    ],
)
def _edge_dot_kernel(z_hbm, es_hbm, ed_hbm, out_hbm,
                     is_v, id_v, res_v, src_v, dst_v, sem_s, sem_d):
    wid = lax.axis_index("s") * NC + lax.axis_index("c")
    big = wid < 16
    ng = jnp.where(big, NG_BIG, NG_SMALL)
    base = jnp.where(big, wid * E_BIG, 16 * E_BIG + (wid - 16) * E_SMALL)

    @pl.when(big)
    def _():
        pltpu.sync_copy(es_hbm.at[pl.ds(base, E_BIG)], is_v)
        pltpu.sync_copy(ed_hbm.at[pl.ds(base, E_BIG)], id_v)

    @pl.when(jnp.logical_not(big))
    def _():
        pltpu.sync_copy(es_hbm.at[pl.ds(base, E_SMALL)], is_v.at[pl.ds(0, E_SMALL)])
        pltpu.sync_copy(ed_hbm.at[pl.ds(base, E_SMALL)], id_v.at[pl.ds(0, E_SMALL)])

    lane = lax.iota(jnp.int32, L)

    def issue(g, p):
        off = g * L
        pltpu.async_copy(z_hbm.at[is_v.at[pl.ds(off, L)]], src_v.at[p],
                         sem_s.at[p])
        pltpu.async_copy(z_hbm.at[id_v.at[pl.ds(off, L)]], dst_v.at[p],
                         sem_d.at[p])

    issue(0, 0)

    def group_body(g, carry):
        p = lax.rem(g, 2)
        off = g * L

        @pl.when(g + 1 < ng)
        def _():
            issue(g + 1, 1 - p)

        pltpu.make_async_copy(z_hbm.at[is_v.at[pl.ds(off, L)]], src_v.at[p],
                              sem_s.at[p]).wait()
        pltpu.make_async_copy(z_hbm.at[id_v.at[pl.ds(off, L)]], dst_v.at[p],
                              sem_d.at[p]).wait()

        def edge_body(e, r):
            acc = src_v[p, e, pl.ds(0, L)] * dst_v[p, e, pl.ds(0, L)]
            for j in range(1, D_VECS):
                acc = acc + (src_v[p, e, pl.ds(j * L, L)]
                             * dst_v[p, e, pl.ds(j * L, L)])
            s = jnp.sum(acc, axis=0)
            return jnp.where(lane == e, s, r)

        dot = lax.fori_loop(0, L, edge_body, jnp.zeros((L,), jnp.float32),
                            unroll=False)
        res_v[pl.ds(off, L)] = 1.0 / (1.0 + jnp.exp(-dot))
        return carry

    lax.fori_loop(0, ng, group_body, 0, unroll=False)

    @pl.when(big)
    def _():
        pltpu.sync_copy(res_v, out_hbm.at[pl.ds(base, E_BIG)])

    @pl.when(jnp.logical_not(big))
    def _():
        pltpu.sync_copy(res_v.at[pl.ds(0, E_SMALL)], out_hbm.at[pl.ds(base, E_SMALL)])


def kernel(z, edge):
    edge = edge.astype(jnp.int32)
    return _edge_dot_kernel(z, edge[0], edge[1])

# --- scband reference (transcript-rebuilt; emitter-appended) ---
"""Pipeline reference for scband-dot-edge-decoder-27539330301997 (READ-ONLY COPY).

The authoritative reference and input builder live on the scoring server;
editing this copy changes nothing except your own understanding.
"""

import jax, jax.numpy as jnp
import numpy as np

N_NODES = 10000
D_FEAT = 512
N_EDGES = 160000

def setup_inputs(seed: int = 0) -> dict:
    key = jax.random.key(seed)
    k1, k2 = jax.random.split(key)
    z = jax.random.normal(k1, (N_NODES, D_FEAT), dtype=jnp.float32)
    edge = jax.random.randint(k2, (2, N_EDGES), 0, N_NODES, dtype=jnp.int64)
    return {"z": z, "edge": edge}

def reference(z, edge):
    # x = z[edge[0]] * z[edge[1]]; x = x.sum(-1); sigmoid
    src = jnp.take(z, edge[0], axis=0)
    dst = jnp.take(z, edge[1], axis=0)
    x = (src * dst).sum(-1)
    return jax.nn.sigmoid(x)

if __name__ == "__main__":
    import jax
    _d = setup_inputs()
    print(jax.jit(kernel)(*tuple(_d.values())))

</pallas_src>

<mosaic_0001>
#map = affine_map<(d0, d1) -> (0, 0)>
#map1 = affine_map<(d0, d1) -> (0)>
module attributes {stable_mosaic.version = 14 : i64} {
  func.func @_edge_dot_kernel(%arg0: i32, %arg1: i32, %arg2: memref<10000x512xf32, #tpu.memory_space<hbm>>, %arg3: memref<160000xi32, #tpu.memory_space<hbm>>, %arg4: memref<160000xi32, #tpu.memory_space<hbm>>, %arg5: memref<160000xf32, #tpu.memory_space<hbm>>, %arg6: memref<5008xi32, #tpu.memory_space<vmem>>, %arg7: memref<5008xi32, #tpu.memory_space<vmem>>, %arg8: memref<5008xf32, #tpu.memory_space<vmem>>, %arg9: memref<2x16x512xf32, #tpu.memory_space<vmem>>, %arg10: memref<2x16x512xf32, #tpu.memory_space<vmem>>, %arg11: memref<2x!tpu.dma_semaphore, #tpu.memory_space<semaphore_mem>>, %arg12: memref<2x!tpu.dma_semaphore, #tpu.memory_space<semaphore_mem>>) attributes {dimension_semantics = [#tpu.dimension_semantics<core_parallel>, #tpu.dimension_semantics<subcore_parallel>], iteration_bounds = array<i64: 2, 16>, scalar_prefetch = 0 : i64, scratch_operands = 7 : i64, tpu.core_type = #tpu.core_type<sc_vector_subcore>, window_params = [{transform_indices = #map}, {transform_indices = #map1}, {transform_indices = #map1}, {transform_indices = #map1}]} {
    %mul3A = arith.constant 2 : i32
    %mul3A_0 = arith.muli %arg1, %mul3A : i32
    %add3A = arith.addi %mul3A_0, %arg0 : i32
    %lt3A = arith.constant 16 : i32
    %lt3A_1 = arith.cmpi slt, %add3A, %lt3A : i32
    %jit3A = arith.constant 313 : i32
    %jit3A_2 = arith.constant 312 : i32
    %select_n3A = arith.select %lt3A_1, %jit3A, %jit3A_2 : i32
    %mul3A_3 = arith.constant 5008 : i32
    %mul3A_4 = arith.muli %add3A, %mul3A_3 : i32
    %sub3A = arith.constant 16 : i32
    %sub3A_5 = arith.subi %add3A, %sub3A : i32
    %mul3A_6 = arith.constant 4992 : i32
    %mul3A_7 = arith.muli %sub3A_5, %mul3A_6 : i32
    %add3A_8 = arith.constant 80128 : i32
    %add3A_9 = arith.addi %add3A_8, %mul3A_7 : i32
    %select_n3A_10 = arith.select %lt3A_1, %mul3A_4, %add3A_9 : i32
    %convert_element_type3A = arith.extui %lt3A_1 : i1 to i32
    %cond3A = arith.constant 0 : i32
    %cond3A_11 = arith.cmpi ne, %convert_element_type3A, %cond3A : i32
    scf.if %cond3A_11 {
      "tpu.region"() ({
        %run_scoped3A = tpu.sem_alloc : memref<!tpu.dma_semaphore, #tpu.memory_space<semaphore_mem>>
        %dma_start3A_58 = tpu.memref_slice %arg3[%select_n3A_10] : memref<160000xi32, #tpu.memory_space<hbm>> -> memref<5008xi32, #tpu.memory_space<hbm>>
        %dma_start3A_59 = tpu.memref_slice %arg3[%select_n3A_10] : memref<160000xi32, #tpu.memory_space<hbm>> -> memref<5008xi32, #tpu.memory_space<hbm>>
        tpu.enqueue_dma source(%dma_start3A_59 : memref<5008xi32, #tpu.memory_space<hbm>>) target(%arg6 : memref<5008xi32, #tpu.memory_space<vmem>>) target_semaphore(%run_scoped3A : memref<!tpu.dma_semaphore, #tpu.memory_space<semaphore_mem>>)
        %dma_wait3A = tpu.memref_slice %arg3[%select_n3A_10] : memref<160000xi32, #tpu.memory_space<hbm>> -> memref<5008xi32, #tpu.memory_space<hbm>>
        %dma_wait3A_60 = tpu.memref_slice %arg3[%select_n3A_10] : memref<160000xi32, #tpu.memory_space<hbm>> -> memref<5008xi32, #tpu.memory_space<hbm>>
        tpu.wait_dma2 semaphore(%run_scoped3A : memref<!tpu.dma_semaphore, #tpu.memory_space<semaphore_mem>>) src(%dma_wait3A_60 : memref<5008xi32, #tpu.memory_space<hbm>>) dst(%arg6 : memref<5008xi32, #tpu.memory_space<vmem>>)
        tpu.yield
      }) : () -> ()
      "tpu.region"() ({
        %run_scoped3A = tpu.sem_alloc : memref<!tpu.dma_semaphore, #tpu.memory_space<semaphore_mem>>
        %dma_start3A_58 = tpu.memref_slice %arg4[%select_n3A_10] : memref<160000xi32, #tpu.memory_space<hbm>> -> memref<5008xi32, #tpu.memory_space<hbm>>
        %dma_start3A_59 = tpu.memref_slice %arg4[%select_n3A_10] : memref<160000xi32, #tpu.memory_space<hbm>> -> memref<5008xi32, #tpu.memory_space<hbm>>
        tpu.enqueue_dma source(%dma_start3A_59 : memref<5008xi32, #tpu.memory_space<hbm>>) target(%arg7 : memref<5008xi32, #tpu.memory_space<vmem>>) target_semaphore(%run_scoped3A : memref<!tpu.dma_semaphore, #tpu.memory_space<semaphore_mem>>)
        %dma_wait3A = tpu.memref_slice %arg4[%select_n3A_10] : memref<160000xi32, #tpu.memory_space<hbm>> -> memref<5008xi32, #tpu.memory_space<hbm>>
        %dma_wait3A_60 = tpu.memref_slice %arg4[%select_n3A_10] : memref<160000xi32, #tpu.memory_space<hbm>> -> memref<5008xi32, #tpu.memory_space<hbm>>
        tpu.wait_dma2 semaphore(%run_scoped3A : memref<!tpu.dma_semaphore, #tpu.memory_space<semaphore_mem>>) src(%dma_wait3A_60 : memref<5008xi32, #tpu.memory_space<hbm>>) dst(%arg7 : memref<5008xi32, #tpu.memory_space<vmem>>)
        tpu.yield
      }) : () -> ()
    } else {
    }
    %not3A = arith.constant true
    %not3A_12 = arith.xori %lt3A_1, %not3A : i1
    %convert_element_type3A_13 = arith.extui %not3A_12 : i1 to i32
    %cond3A_14 = arith.constant 0 : i32
    %cond3A_15 = arith.cmpi ne, %convert_element_type3A_13, %cond3A_14 : i32
    scf.if %cond3A_15 {
      "tpu.region"() ({
        %run_scoped3A = tpu.sem_alloc : memref<!tpu.dma_semaphore, #tpu.memory_space<semaphore_mem>>
        %dma_start3A_58 = arith.constant 0 : i32
        %dma_start3A_59 = tpu.memref_slice %arg6[%dma_start3A_58] : memref<5008xi32, #tpu.memory_space<vmem>> -> memref<4992xi32, #tpu.memory_space<vmem>>
        %dma_start3A_60 = tpu.memref_slice %arg3[%select_n3A_10] : memref<160000xi32, #tpu.memory_space<hbm>> -> memref<4992xi32, #tpu.memory_space<hbm>>
        %dma_start3A_61 = arith.constant 0 : i32
        %dma_start3A_62 = tpu.memref_slice %arg6[%dma_start3A_61] : memref<5008xi32, #tpu.memory_space<vmem>> -> memref<4992xi32, #tpu.memory_space<vmem>>
        %dma_start3A_63 = tpu.memref_slice %arg3[%select_n3A_10] : memref<160000xi32, #tpu.memory_space<hbm>> -> memref<4992xi32, #tpu.memory_space<hbm>>
        tpu.enqueue_dma source(%dma_start3A_63 : memref<4992xi32, #tpu.memory_space<hbm>>) target(%dma_start3A_62 : memref<4992xi32, #tpu.memory_space<vmem>>) target_semaphore(%run_scoped3A : memref<!tpu.dma_semaphore, #tpu.memory_space<semaphore_mem>>)
        %dma_wait3A = arith.constant 0 : i32
        %dma_wait3A_64 = tpu.memref_slice %arg6[%dma_wait3A] : memref<5008xi32, #tpu.memory_space<vmem>> -> memref<4992xi32, #tpu.memory_space<vmem>>
        %dma_wait3A_65 = tpu.memref_slice %arg3[%select_n3A_10] : memref<160000xi32, #tpu.memory_space<hbm>> -> memref<4992xi32, #tpu.memory_space<hbm>>
        %dma_wait3A_66 = arith.constant 0 : i32
        %dma_wait3A_67 = tpu.memref_slice %arg6[%dma_wait3A_66] : memref<5008xi32, #tpu.memory_space<vmem>> -> memref<4992xi32, #tpu.memory_space<vmem>>
        %dma_wait3A_68 = tpu.memref_slice %arg3[%select_n3A_10] : memref<160000xi32, #tpu.memory_space<hbm>> -> memref<4992xi32, #tpu.memory_space<hbm>>
        tpu.wait_dma2 semaphore(%run_scoped3A : memref<!tpu.dma_semaphore, #tpu.memory_space<semaphore_mem>>) src(%dma_wait3A_68 : memref<4992xi32, #tpu.memory_space<hbm>>) dst(%dma_wait3A_67 : memref<4992xi32, #tpu.memory_space<vmem>>)
        tpu.yield
      }) : () -> ()
      "tpu.region"() ({
        %run_scoped3A = tpu.sem_alloc : memref<!tpu.dma_semaphore, #tpu.memory_space<semaphore_mem>>
        %dma_start3A_58 = arith.constant 0 : i32
        %dma_start3A_59 = tpu.memref_slice %arg7[%dma_start3A_58] : memref<5008xi32, #tpu.memory_space<vmem>> -> memref<4992xi32, #tpu.memory_space<vmem>>
        %dma_start3A_60 = tpu.memref_slice %arg4[%select_n3A_10] : memref<160000xi32, #tpu.memory_space<hbm>> -> memref<4992xi32, #tpu.memory_space<hbm>>
        %dma_start3A_61 = arith.constant 0 : i32
        %dma_start3A_62 = tpu.memref_slice %arg7[%dma_start3A_61] : memref<5008xi32, #tpu.memory_space<vmem>> -> memref<4992xi32, #tpu.memory_space<vmem>>
        %dma_start3A_63 = tpu.memref_slice %arg4[%select_n3A_10] : memref<160000xi32, #tpu.memory_space<hbm>> -> memref<4992xi32, #tpu.memory_space<hbm>>
        tpu.enqueue_dma source(%dma_start3A_63 : memref<4992xi32, #tpu.memory_space<hbm>>) target(%dma_start3A_62 : memref<4992xi32, #tpu.memory_space<vmem>>) target_semaphore(%run_scoped3A : memref<!tpu.dma_semaphore, #tpu.memory_space<semaphore_mem>>)
        %dma_wait3A = arith.constant 0 : i32
        %dma_wait3A_64 = tpu.memref_slice %arg7[%dma_wait3A] : memref<5008xi32, #tpu.memory_space<vmem>> -> memref<4992xi32, #tpu.memory_space<vmem>>
        %dma_wait3A_65 = tpu.memref_slice %arg4[%select_n3A_10] : memref<160000xi32, #tpu.memory_space<hbm>> -> memref<4992xi32, #tpu.memory_space<hbm>>
        %dma_wait3A_66 = arith.constant 0 : i32
        %dma_wait3A_67 = tpu.memref_slice %arg7[%dma_wait3A_66] : memref<5008xi32, #tpu.memory_space<vmem>> -> memref<4992xi32, #tpu.memory_space<vmem>>
        %dma_wait3A_68 = tpu.memref_slice %arg4[%select_n3A_10] : memref<160000xi32, #tpu.memory_space<hbm>> -> memref<4992xi32, #tpu.memory_space<hbm>>
        tpu.wait_dma2 semaphore(%run_scoped3A : memref<!tpu.dma_semaphore, #tpu.memory_space<semaphore_mem>>) src(%dma_wait3A_68 : memref<4992xi32, #tpu.memory_space<hbm>>) dst(%dma_wait3A_67 : memref<4992xi32, #tpu.memory_space<vmem>>)
        tpu.yield
      }) : () -> ()
    } else {
    }
    %iota3A = tpu.iota {dimensions = array<i32: 0>} : vector<16xi32>
    %dma_start3A = arith.constant 0 : i32
    %dma_start3A_16 = arith.constant 0 : i32
    %dma_start3A_17 = arith.constant 0 : i32
    %dma_start3A_18 = arith.constant 0 : i32
    %dma_start3A_19 = tpu.memref_slice %arg9[%dma_start3A, %dma_start3A_17, %dma_start3A_18] : memref<2x16x512xf32, #tpu.memory_space<vmem>> -> memref<1x16x512xf32, #tpu.memory_space<vmem>>
    %dma_start3A_20 = tpu.memref_squeeze %dma_start3A_19 : memref<1x16x512xf32, #tpu.memory_space<vmem>> -> memref<16x512xf32, #tpu.memory_space<vmem>>
    %dma_start3A_21 = arith.constant 0 : i32
    %dma_start3A_22 = tpu.memref_slice %arg6[%dma_start3A_21] : memref<5008xi32, #tpu.memory_space<vmem>> -> memref<16xi32, #tpu.memory_space<vmem>>
    %dma_start3A_23 = arith.constant 0 : i32
    %dma_start3A_24 = arith.constant 0 : i32
    %dma_start3A_25 = tpu.memref_slice %arg2[%dma_start3A_23, %dma_start3A_24] : memref<10000x512xf32, #tpu.memory_space<hbm>> -> memref<10000x512xf32, #tpu.memory_space<hbm>>
    %dma_start3A_26 = tpu.memref_slice %arg11[%dma_start3A_16] : memref<2x!tpu.dma_semaphore, #tpu.memory_space<semaphore_mem>> -> memref<1x!tpu.dma_semaphore, #tpu.memory_space<semaphore_mem>>
    %dma_start3A_27 = tpu.memref_squeeze %dma_start3A_26 : memref<1x!tpu.dma_semaphore, #tpu.memory_space<semaphore_mem>> -> memref<!tpu.dma_semaphore, #tpu.memory_space<semaphore_mem>>
    tpu.enqueue_indirect_dma source(%dma_start3A_25 : memref<10000x512xf32, #tpu.memory_space<hbm>>) target(%dma_start3A_20 : memref<16x512xf32, #tpu.memory_space<vmem>>) offsets(%dma_start3A_22 : memref<16xi32, #tpu.memory_space<vmem>>) semaphore(%dma_start3A_27 : memref<!tpu.dma_semaphore, #tpu.memory_space<semaphore_mem>>)
    %dma_start3A_28 = arith.constant 0 : i32
    %dma_start3A_29 = arith.constant 0 : i32
    %dma_start3A_30 = arith.constant 0 : i32
    %dma_start3A_31 = arith.constant 0 : i32
    %dma_start3A_32 = tpu.memref_slice %arg10[%dma_start3A_28, %dma_start3A_30, %dma_start3A_31] : memref<2x16x512xf32, #tpu.memory_space<vmem>> -> memref<1x16x512xf32, #tpu.memory_space<vmem>>
    %dma_start3A_33 = tpu.memref_squeeze %dma_start3A_32 : memref<1x16x512xf32, #tpu.memory_space<vmem>> -> memref<16x512xf32, #tpu.memory_space<vmem>>
    %dma_start3A_34 = arith.constant 0 : i32
    %dma_start3A_35 = tpu.memref_slice %arg7[%dma_start3A_34] : memref<5008xi32, #tpu.memory_space<vmem>> -> memref<16xi32, #tpu.memory_space<vmem>>
    %dma_start3A_36 = arith.constant 0 : i32
    %dma_start3A_37 = arith.constant 0 : i32
    %dma_start3A_38 = tpu.memref_slice %arg2[%dma_start3A_36, %dma_start3A_37] : memref<10000x512xf32, #tpu.memory_space<hbm>> -> memref<10000x512xf32, #tpu.memory_space<hbm>>
    %dma_start3A_39 = tpu.memref_slice %arg12[%dma_start3A_29] : memref<2x!tpu.dma_semaphore, #tpu.memory_space<semaphore_mem>> -> memref<1x!tpu.dma_semaphore, #tpu.memory_space<semaphore_mem>>
    %dma_start3A_40 = tpu.memref_squeeze %dma_start3A_39 : memref<1x!tpu.dma_semaphore, #tpu.memory_space<semaphore_mem>> -> memref<!tpu.dma_semaphore, #tpu.memory_space<semaphore_mem>>
    tpu.enqueue_indirect_dma source(%dma_start3A_38 : memref<10000x512xf32, #tpu.memory_space<hbm>>) target(%dma_start3A_33 : memref<16x512xf32, #tpu.memory_space<vmem>>) offsets(%dma_start3A_35 : memref<16xi32, #tpu.memory_space<vmem>>) semaphore(%dma_start3A_40 : memref<!tpu.dma_semaphore, #tpu.memory_space<semaphore_mem>>)
    %while3A = arith.constant 0 : i32
    %while3A_41 = arith.constant 0 : i32
    %while3A_42 = arith.subi %select_n3A, %while3A_41 : i32
    %while3A_43 = arith.addi %while3A_41, %while3A_42 : i32
    %while3A_44 = arith.constant 1 : i32
    %while3A_45 = arith.divsi %while3A_42, %while3A_44 : i32
    %while3A_46 = arith.muli %while3A_45, %while3A_44 : i32
    %while3A_47 = arith.addi %while3A_41, %while3A_46 : i32
    %while3A_48 = arith.constant 1 : i32
    scf.for %while3A_58 = %while3A_41 to %while3A_47 step %while3A_48  : i32 {
      %rem3A = arith.constant 2 : i32
      %rem3A_59 = arith.remsi %while3A_58, %rem3A : i32
      %mul3A_60 = arith.constant 16 : i32
      %mul3A_61 = arith.muli %while3A_58, %mul3A_60 : i32
      %add3A_62 = arith.constant 1 : i32
      %add3A_63 = arith.addi %while3A_58, %add3A_62 : i32
      %lt3A_64 = arith.cmpi slt, %add3A_63, %select_n3A : i32
      %convert_element_type3A_65 = arith.extui %lt3A_64 : i1 to i32
      %cond3A_66 = arith.constant 0 : i32
      %cond3A_67 = arith.cmpi ne, %convert_element_type3A_65, %cond3A_66 : i32
      scf.if %cond3A_67 {
        %add3A_101 = arith.constant 1 : i32
        %add3A_102 = arith.addi %while3A_58, %add3A_101 : i32
        %sub3A_103 = arith.constant 1 : i32
        %sub3A_104 = arith.subi %sub3A_103, %rem3A_59 : i32
        %mul3A_105 = arith.constant 16 : i32
        %mul3A_106 = arith.muli %add3A_102, %mul3A_105 : i32
        %dma_start3A_107 = arith.constant 0 : i32
        %dma_start3A_108 = arith.constant 0 : i32
        %dma_start3A_109 = tpu.memref_slice %arg9[%sub3A_104, %dma_start3A_107, %dma_start3A_108] : memref<2x16x512xf32, #tpu.memory_space<vmem>> -> memref<1x16x512xf32, #tpu.memory_space<vmem>>
        %dma_start3A_110 = tpu.memref_squeeze %dma_start3A_109 : memref<1x16x512xf32, #tpu.memory_space<vmem>> -> memref<16x512xf32, #tpu.memory_space<vmem>>
        %dma_start3A_111 = tpu.memref_slice %arg6[%mul3A_106] : memref<5008xi32, #tpu.memory_space<vmem>> -> memref<16xi32, #tpu.memory_space<vmem>>
        %dma_start3A_112 = arith.constant 0 : i32
        %dma_start3A_113 = arith.constant 0 : i32
        %dma_start3A_114 = tpu.memref_slice %arg2[%dma_start3A_112, %dma_start3A_113] : memref<10000x512xf32, #tpu.memory_space<hbm>> -> memref<10000x512xf32, #tpu.memory_space<hbm>>
        %dma_start3A_115 = tpu.memref_slice %arg11[%sub3A_104] : memref<2x!tpu.dma_semaphore, #tpu.memory_space<semaphore_mem>> -> memref<1x!tpu.dma_semaphore, #tpu.memory_space<semaphore_mem>>
        %dma_start3A_116 = tpu.memref_squeeze %dma_start3A_115 : memref<1x!tpu.dma_semaphore, #tpu.memory_space<semaphore_mem>> -> memref<!tpu.dma_semaphore, #tpu.memory_space<semaphore_mem>>
        tpu.enqueue_indirect_dma source(%dma_start3A_114 : memref<10000x512xf32, #tpu.memory_space<hbm>>) target(%dma_start3A_110 : memref<16x512xf32, #tpu.memory_space<vmem>>) offsets(%dma_start3A_111 : memref<16xi32, #tpu.memory_space<vmem>>) semaphore(%dma_start3A_116 : memref<!tpu.dma_semaphore, #tpu.memory_space<semaphore_mem>>)
        %dma_start3A_117 = arith.constant 0 : i32
        %dma_start3A_118 = arith.constant 0 : i32
        %dma_start3A_119 = tpu.memref_slice %arg10[%sub3A_104, %dma_start3A_117, %dma_start3A_118] : memref<2x16x512xf32, #tpu.memory_space<vmem>> -> memref<1x16x512xf32, #tpu.memory_space<vmem>>
        %dma_start3A_120 = tpu.memref_squeeze %dma_start3A_119 : memref<1x16x512xf32, #tpu.memory_space<vmem>> -> memref<16x512xf32, #tpu.memory_space<vmem>>
        %dma_start3A_121 = tpu.memref_slice %arg7[%mul3A_106] : memref<5008xi32, #tpu.memory_space<vmem>> -> memref<16xi32, #tpu.memory_space<vmem>>
        %dma_start3A_122 = arith.constant 0 : i32
        %dma_start3A_123 = arith.constant 0 : i32
        %dma_start3A_124 = tpu.memref_slice %arg2[%dma_start3A_122, %dma_start3A_123] : memref<10000x512xf32, #tpu.memory_space<hbm>> -> memref<10000x512xf32, #tpu.memory_space<hbm>>
        %dma_start3A_125 = tpu.memref_slice %arg12[%sub3A_104] : memref<2x!tpu.dma_semaphore, #tpu.memory_space<semaphore_mem>> -> memref<1x!tpu.dma_semaphore, #tpu.memory_space<semaphore_mem>>
        %dma_start3A_126 = tpu.memref_squeeze %dma_start3A_125 : memref<1x!tpu.dma_semaphore, #tpu.memory_space<semaphore_mem>> -> memref<!tpu.dma_semaphore, #tpu.memory_space<semaphore_mem>>
        tpu.enqueue_indirect_dma source(%dma_start3A_124 : memref<10000x512xf32, #tpu.memory_space<hbm>>) target(%dma_start3A_120 : memref<16x512xf32, #tpu.memory_space<vmem>>) offsets(%dma_start3A_121 : memref<16xi32, #tpu.memory_space<vmem>>) semaphore(%dma_start3A_126 : memref<!tpu.dma_semaphore, #tpu.memory_space<semaphore_mem>>)
      } else {
      }
      %dma_wait3A = arith.constant 0 : i32
      %dma_wait3A_68 = arith.constant 0 : i32
      %dma_wait3A_69 = tpu.memref_slice %arg9[%rem3A_59, %dma_wait3A, %dma_wait3A_68] : memref<2x16x512xf32, #tpu.memory_space<vmem>> -> memref<1x16x512xf32, #tpu.memory_space<vmem>>
      %dma_wait3A_70 = tpu.memref_squeeze %dma_wait3A_69 : memref<1x16x512xf32, #tpu.memory_space<vmem>> -> memref<16x512xf32, #tpu.memory_space<vmem>>
      %dma_wait3A_71 = tpu.memref_slice %arg6[%mul3A_61] : memref<5008xi32, #tpu.memory_space<vmem>> -> memref<16xi32, #tpu.memory_space<vmem>>
      %dma_wait3A_72 = arith.constant 0 : i32
      %dma_wait3A_73 = arith.constant 0 : i32
      %dma_wait3A_74 = tpu.memref_slice %arg2[%dma_wait3A_72, %dma_wait3A_73] : memref<10000x512xf32, #tpu.memory_space<hbm>> -> memref<10000x512xf32, #tpu.memory_space<hbm>>
      %dma_wait3A_75 = tpu.memref_slice %arg11[%rem3A_59] : memref<2x!tpu.dma_semaphore, #tpu.memory_space<semaphore_mem>> -> memref<1x!tpu.dma_semaphore, #tpu.memory_space<semaphore_mem>>
      %dma_wait3A_76 = tpu.memref_squeeze %dma_wait3A_75 : memref<1x!tpu.dma_semaphore, #tpu.memory_space<semaphore_mem>> -> memref<!tpu.dma_semaphore, #tpu.memory_space<semaphore_mem>>
      tpu.wait_indirect_dma semaphore(%dma_wait3A_76 : memref<!tpu.dma_semaphore, #tpu.memory_space<semaphore_mem>>) src(%dma_wait3A_74 : memref<10000x512xf32, #tpu.memory_space<hbm>>) dst(%dma_wait3A_70 : memref<16x512xf32, #tpu.memory_space<vmem>>)
      %dma_wait3A_77 = arith.constant 0 : i32
      %dma_wait3A_78 = arith.constant 0 : i32
      %dma_wait3A_79 = tpu.memref_slice %arg10[%rem3A_59, %dma_wait3A_77, %dma_wait3A_78] : memref<2x16x512xf32, #tpu.memory_space<vmem>> -> memref<1x16x512xf32, #tpu.memory_space<vmem>>
      %dma_wait3A_80 = tpu.memref_squeeze %dma_wait3A_79 : memref<1x16x512xf32, #tpu.memory_space<vmem>> -> memref<16x512xf32, #tpu.memory_space<vmem>>
      %dma_wait3A_81 = tpu.memref_slice %arg7[%mul3A_61] : memref<5008xi32, #tpu.memory_space<vmem>> -> memref<16xi32, #tpu.memory_space<vmem>>
      %dma_wait3A_82 = arith.constant 0 : i32
      %dma_wait3A_83 = arith.constant 0 : i32
      %dma_wait3A_84 = tpu.memref_slice %arg2[%dma_wait3A_82, %dma_wait3A_83] : memref<10000x512xf32, #tpu.memory_space<hbm>> -> memref<10000x512xf32, #tpu.memory_space<hbm>>
      %dma_wait3A_85 = tpu.memref_slice %arg12[%rem3A_59] : memref<2x!tpu.dma_semaphore, #tpu.memory_space<semaphore_mem>> -> memref<1x!tpu.dma_semaphore, #tpu.memory_space<semaphore_mem>>
      %dma_wait3A_86 = tpu.memref_squeeze %dma_wait3A_85 : memref<1x!tpu.dma_semaphore, #tpu.memory_space<semaphore_mem>> -> memref<!tpu.dma_semaphore, #tpu.memory_space<semaphore_mem>>
      tpu.wait_indirect_dma semaphore(%dma_wait3A_86 : memref<!tpu.dma_semaphore, #tpu.memory_space<semaphore_mem>>) src(%dma_wait3A_84 : memref<10000x512xf32, #tpu.memory_space<hbm>>) dst(%dma_wait3A_80 : memref<16x512xf32, #tpu.memory_space<vmem>>)
      %broadcast_in_dim3A = arith.constant 0.000000e+00 : f32
      %broadcast_in_dim3A_87 = vector.broadcast %broadcast_in_dim3A : f32 to vector<16xf32>
      %scan3A = arith.constant 0 : i32
      %scan3A_88 = arith.constant 16 : i32
      %scan3A_89 = arith.addi %scan3A, %scan3A_88 : i32
      %scan3A_90 = arith.constant 1 : i32
      %scan3A_91 = scf.for %scan3A_101 = %scan3A to %scan3A_89 step %scan3A_90 iter_args(%scan3A_102 = %broadcast_in_dim3A_87) -> (vector<16xf32>)  : i32 {
        %get3A = arith.index_cast %rem3A_59 : i32 to index
        %get3A_103 = arith.index_cast %scan3A_101 : i32 to index
        %get3A_104 = arith.constant 0 : index
        %get3A_105 = tpu.vector_load %arg9[%get3A, %get3A_103, %get3A_104] {strides = array<i32>} : memref<2x16x512xf32, #tpu.memory_space<vmem>>, vector<16xf32>,
        %get3A_106 = arith.index_cast %rem3A_59 : i32 to index
        %get3A_107 = arith.index_cast %scan3A_101 : i32 to index
        %get3A_108 = arith.constant 0 : index
        %get3A_109 = tpu.vector_load %arg10[%get3A_106, %get3A_107, %get3A_108] {strides = array<i32>} : memref<2x16x512xf32, #tpu.memory_space<vmem>>, vector<16xf32>,
        %mul3A_110 = arith.mulf %get3A_105, %get3A_109 : vector<16xf32>
        %get3A_111 = arith.index_cast %rem3A_59 : i32 to index
        %get3A_112 = arith.index_cast %scan3A_101 : i32 to index
        %get3A_113 = arith.constant 16 : index
        %get3A_114 = tpu.vector_load %arg9[%get3A_111, %get3A_112, %get3A_113] {strides = array<i32>} : memref<2x16x512xf32, #tpu.memory_space<vmem>>, vector<16xf32>,
        %get3A_115 = arith.index_cast %rem3A_59 : i32 to index
        %get3A_116 = arith.index_cast %scan3A_101 : i32 to index
        %get3A_117 = arith.constant 16 : index
        %get3A_118 = tpu.vector_load %arg10[%get3A_115, %get3A_116, %get3A_117] {strides = array<i32>} : memref<2x16x512xf32, #tpu.memory_space<vmem>>, vector<16xf32>,
        %mul3A_119 = arith.mulf %get3A_114, %get3A_118 : vector<16xf32>
        %add3A_120 = arith.addf %mul3A_110, %mul3A_119 : vector<16xf32>
        %get3A_121 = arith.index_cast %rem3A_59 : i32 to index
        %get3A_122 = arith.index_cast %scan3A_101 : i32 to index
        %get3A_123 = arith.constant 32 : index
        %get3A_124 = tpu.vector_load %arg9[%get3A_121, %get3A_122, %get3A_123] {strides = array<i32>} : memref<2x16x512xf32, #tpu.memory_space<vmem>>, vector<16xf32>,
        %get3A_125 = arith.index_cast %rem3A_59 : i32 to index
        %get3A_126 = arith.index_cast %scan3A_101 : i32 to index
        %get3A_127 = arith.constant 32 : index
        %get3A_128 = tpu.vector_load %arg10[%get3A_125, %get3A_126, %get3A_127] {strides = array<i32>} : memref<2x16x512xf32, #tpu.memory_space<vmem>>, vector<16xf32>,
        %mul3A_129 = arith.mulf %get3A_124, %get3A_128 : vector<16xf32>
        %add3A_130 = arith.addf %add3A_120, %mul3A_129 : vector<16xf32>
        %get3A_131 = arith.index_cast %rem3A_59 : i32 to index
        %get3A_132 = arith.index_cast %scan3A_101 : i32 to index
        %get3A_133 = arith.constant 48 : index
        %get3A_134 = tpu.vector_load %arg9[%get3A_131, %get3A_132, %get3A_133] {strides = array<i32>} : memref<2x16x512xf32, #tpu.memory_space<vmem>>, vector<16xf32>,
        %get3A_135 = arith.index_cast %rem3A_59 : i32 to index
        %get3A_136 = arith.index_cast %scan3A_101 : i32 to index
        %get3A_137 = arith.constant 48 : index
        %get3A_138 = tpu.vector_load %arg10[%get3A_135, %get3A_136, %get3A_137] {strides = array<i32>} : memref<2x16x512xf32, #tpu.memory_space<vmem>>, vector<16xf32>,
        %mul3A_139 = arith.mulf %get3A_134, %get3A_138 : vector<16xf32>
        %add3A_140 = arith.addf %add3A_130, %mul3A_139 : vector<16xf32>
        %get3A_141 = arith.index_cast %rem3A_59 : i32 to index
        %get3A_142 = arith.index_cast %scan3A_101 : i32 to index
        %get3A_143 = arith.constant 64 : index
        %get3A_144 = tpu.vector_load %arg9[%get3A_141, %get3A_142, %get3A_143] {strides = array<i32>} : memref<2x16x512xf32, #tpu.memory_space<vmem>>, vector<16xf32>,
        %get3A_145 = arith.index_cast %rem3A_59 : i32 to index
        %get3A_146 = arith.index_cast %scan3A_101 : i32 to index
        %get3A_147 = arith.constant 64 : index
        %get3A_148 = tpu.vector_load %arg10[%get3A_145, %get3A_146, %get3A_147] {strides = array<i32>} : memref<2x16x512xf32, #tpu.memory_space<vmem>>, vector<16xf32>,
        %mul3A_149 = arith.mulf %get3A_144, %get3A_148 : vector<16xf32>
        %add3A_150 = arith.addf %add3A_140, %mul3A_149 : vector<16xf32>
        %get3A_151 = arith.index_cast %rem3A_59 : i32 to index
        %get3A_152 = arith.index_cast %scan3A_101 : i32 to index
        %get3A_153 = arith.constant 80 : index
        %get3A_154 = tpu.vector_load %arg9[%get3A_151, %get3A_152, %get3A_153] {strides = array<i32>} : memref<2x16x512xf32, #tpu.memory_space<vmem>>, vector<16xf32>,
        %get3A_155 = arith.index_cast %rem3A_59 : i32 to index
        %get3A_156 = arith.index_cast %scan3A_101 : i32 to index
        %get3A_157 = arith.constant 80 : index
        %get3A_158 = tpu.vector_load %arg10[%get3A_155, %get3A_156, %get3A_157] {strides = array<i32>} : memref<2x16x512xf32, #tpu.memory_space<vmem>>, vector<16xf32>,
        %mul3A_159 = arith.mulf %get3A_154, %get3A_158 : vector<16xf32>
        %add3A_160 = arith.addf %add3A_150, %mul3A_159 : vector<16xf32>
        %get3A_161 = arith.index_cast %rem3A_59 : i32 to index
        %get3A_162 = arith.index_cast %scan3A_101 : i32 to index
        %get3A_163 = arith.constant 96 : index
        %get3A_164 = tpu.vector_load %arg9[%get3A_161, %get3A_162, %get3A_163] {strides = array<i32>} : memref<2x16x512xf32, #tpu.memory_space<vmem>>, vector<16xf32>,
        %get3A_165 = arith.index_cast %rem3A_59 : i32 to index
        %get3A_166 = arith.index_cast %scan3A_101 : i32 to index
        %get3A_167 = arith.constant 96 : index
        %get3A_168 = tpu.vector_load %arg10[%get3A_165, %get3A_166, %get3A_167] {strides = array<i32>} : memref<2x16x512xf32, #tpu.memory_space<vmem>>, vector<16xf32>,
        %mul3A_169 = arith.mulf %get3A_164, %get3A_168 : vector<16xf32>
        %add3A_170 = arith.addf %add3A_160, %mul3A_169 : vector<16xf32>
        %get3A_171 = arith.index_cast %rem3A_59 : i32 to index
        %get3A_172 = arith.index_cast %scan3A_101 : i32 to index
        %get3A_173 = arith.constant 112 : index
        %get3A_174 = tpu.vector_load %arg9[%get3A_171, %get3A_172, %get3A_173] {strides = array<i32>} : memref<2x16x512xf32, #tpu.memory_space<vmem>>, vector<16xf32>,
        %get3A_175 = arith.index_cast %rem3A_59 : i32 to index
        %get3A_176 = arith.index_cast %scan3A_101 : i32 to index
        %get3A_177 = arith.constant 112 : index
        %get3A_178 = tpu.vector_load %arg10[%get3A_175, %get3A_176, %get3A_177] {strides = array<i32>} : memref<2x16x512xf32, #tpu.memory_space<vmem>>, vector<16xf32>,
        %mul3A_179 = arith.mulf %get3A_174, %get3A_178 : vector<16xf32>
        %add3A_180 = arith.addf %add3A_170, %mul3A_179 : vector<16xf32>
        %get3A_181 = arith.index_cast %rem3A_59 : i32 to index
        %get3A_182 = arith.index_cast %scan3A_101 : i32 to index
        %get3A_183 = arith.constant 128 : index
        %get3A_184 = tpu.vector_load %arg9[%get3A_181, %get3A_182, %get3A_183] {strides = array<i32>} : memref<2x16x512xf32, #tpu.memory_space<vmem>>, vector<16xf32>,
        %get3A_185 = arith.index_cast %rem3A_59 : i32 to index
        %get3A_186 = arith.index_cast %scan3A_101 : i32 to index
        %get3A_187 = arith.constant 128 : index
        %get3A_188 = tpu.vector_load %arg10[%get3A_185, %get3A_186, %get3A_187] {strides = array<i32>} : memref<2x16x512xf32, #tpu.memory_space<vmem>>, vector<16xf32>,
        %mul3A_189 = arith.mulf %get3A_184, %get3A_188 : vector<16xf32>
        %add3A_190 = arith.addf %add3A_180, %mul3A_189 : vector<16xf32>
        %get3A_191 = arith.index_cast %rem3A_59 : i32 to index
        %get3A_192 = arith.index_cast %scan3A_101 : i32 to index
        %get3A_193 = arith.constant 144 : index
        %get3A_194 = tpu.vector_load %arg9[%get3A_191, %get3A_192, %get3A_193] {strides = array<i32>} : memref<2x16x512xf32, #tpu.memory_space<vmem>>, vector<16xf32>,
        %get3A_195 = arith.index_cast %rem3A_59 : i32 to index
        %get3A_196 = arith.index_cast %scan3A_101 : i32 to index
        %get3A_197 = arith.constant 144 : index
        %get3A_198 = tpu.vector_load %arg10[%get3A_195, %get3A_196, %get3A_197] {strides = array<i32>} : memref<2x16x512xf32, #tpu.memory_space<vmem>>, vector<16xf32>,
        %mul3A_199 = arith.mulf %get3A_194, %get3A_198 : vector<16xf32>
        %add3A_200 = arith.addf %add3A_190, %mul3A_199 : vector<16xf32>
        %get3A_201 = arith.index_cast %rem3A_59 : i32 to index
        %get3A_202 = arith.index_cast %scan3A_101 : i32 to index
        %get3A_203 = arith.constant 160 : index
        %get3A_204 = tpu.vector_load %arg9[%get3A_201, %get3A_202, %get3A_203] {strides = array<i32>} : memref<2x16x512xf32, #tpu.memory_space<vmem>>, vector<16xf32>,
        %get3A_205 = arith.index_cast %rem3A_59 : i32 to index
        %get3A_206 = arith.index_cast %scan3A_101 : i32 to index
        %get3A_207 = arith.constant 160 : index
        %get3A_208 = tpu.vector_load %arg10[%get3A_205, %get3A_206, %get3A_207] {strides = array<i32>} : memref<2x16x512xf32, #tpu.memory_space<vmem>>, vector<16xf32>,
        %mul3A_209 = arith.mulf %get3A_204, %get3A_208 : vector<16xf32>
        %add3A_210 = arith.addf %add3A_200, %mul3A_209 : vector<16xf32>
        %get3A_211 = arith.index_cast %rem3A_59 : i32 to index
        %get3A_212 = arith.index_cast %scan3A_101 : i32 to index
        %get3A_213 = arith.constant 176 : index
        %get3A_214 = tpu.vector_load %arg9[%get3A_211, %get3A_212, %get3A_213] {strides = array<i32>} : memref<2x16x512xf32, #tpu.memory_space<vmem>>, vector<16xf32>,
        %get3A_215 = arith.index_cast %rem3A_59 : i32 to index
        %get3A_216 = arith.index_cast %scan3A_101 : i32 to index
        %get3A_217 = arith.constant 176 : index
        %get3A_218 = tpu.vector_load %arg10[%get3A_215, %get3A_216, %get3A_217] {strides = array<i32>} : memref<2x16x512xf32, #tpu.memory_space<vmem>>, vector<16xf32>,
        %mul3A_219 = arith.mulf %get3A_214, %get3A_218 : vector<16xf32>
        %add3A_220 = arith.addf %add3A_210, %mul3A_219 : vector<16xf32>
        %get3A_221 = arith.index_cast %rem3A_59 : i32 to index
        %get3A_222 = arith.index_cast %scan3A_101 : i32 to index
        %get3A_223 = arith.constant 192 : index
        %get3A_224 = tpu.vector_load %arg9[%get3A_221, %get3A_222, %get3A_223] {strides = array<i32>} : memref<2x16x512xf32, #tpu.memory_space<vmem>>, vector<16xf32>,
        %get3A_225 = arith.index_cast %rem3A_59 : i32 to index
        %get3A_226 = arith.index_cast %scan3A_101 : i32 to index
        %get3A_227 = arith.constant 192 : index
        %get3A_228 = tpu.vector_load %arg10[%get3A_225, %get3A_226, %get3A_227] {strides = array<i32>} : memref<2x16x512xf32, #tpu.memory_space<vmem>>, vector<16xf32>,
        %mul3A_229 = arith.mulf %get3A_224, %get3A_228 : vector<16xf32>
        %add3A_230 = arith.addf %add3A_220, %mul3A_229 : vector<16xf32>
        %get3A_231 = arith.index_cast %rem3A_59 : i32 to index
        %get3A_232 = arith.index_cast %scan3A_101 : i32 to index
        %get3A_233 = arith.constant 208 : index
        %get3A_234 = tpu.vector_load %arg9[%get3A_231, %get3A_232, %get3A_233] {strides = array<i32>} : memref<2x16x512xf32, #tpu.memory_space<vmem>>, vector<16xf32>,
        %get3A_235 = arith.index_cast %rem3A_59 : i32 to index
        %get3A_236 = arith.index_cast %scan3A_101 : i32 to index
        %get3A_237 = arith.constant 208 : index
        %get3A_238 = tpu.vector_load %arg10[%get3A_235, %get3A_236, %get3A_237] {strides = array<i32>} : memref<2x16x512xf32, #tpu.memory_space<vmem>>, vector<16xf32>,
        %mul3A_239 = arith.mulf %get3A_234, %get3A_238 : vector<16xf32>
        %add3A_240 = arith.addf %add3A_230, %mul3A_239 : vector<16xf32>
        %get3A_241 = arith.index_cast %rem3A_59 : i32 to index
        %get3A_242 = arith.index_cast %scan3A_101 : i32 to index
        %get3A_243 = arith.constant 224 : index
        %get3A_244 = tpu.vector_load %arg9[%get3A_241, %get3A_242, %get3A_243] {strides = array<i32>} : memref<2x16x512xf32, #tpu.memory_space<vmem>>, vector<16xf32>,
        %get3A_245 = arith.index_cast %rem3A_59 : i32 to index
        %get3A_246 = arith.index_cast %scan3A_101 : i32 to index
        %get3A_247 = arith.constant 224 : index
        %get3A_248 = tpu.vector_load %arg10[%get3A_245, %get3A_246, %get3A_247] {strides = array<i32>} : memref<2x16x512xf32, #tpu.memory_space<vmem>>, vector<16xf32>,
        %mul3A_249 = arith.mulf %get3A_244, %get3A_248 : vector<16xf32>
        %add3A_250 = arith.addf %add3A_240, %mul3A_249 : vector<16xf32>
        %get3A_251 = arith.index_cast %rem3A_59 : i32 to index
        %get3A_252 = arith.index_cast %scan3A_101 : i32 to index
        %get3A_253 = arith.constant 240 : index
        %get3A_254 = tpu.vector_load %arg9[%get3A_251, %get3A_252, %get3A_253] {strides = array<i32>} : memref<2x16x512xf32, #tpu.memory_space<vmem>>, vector<16xf32>,
        %get3A_255 = arith.index_cast %rem3A_59 : i32 to index
        %get3A_256 = arith.index_cast %scan3A_101 : i32 to index
        %get3A_257 = arith.constant 240 : index
        %get3A_258 = tpu.vector_load %arg10[%get3A_255, %get3A_256, %get3A_257] {strides = array<i32>} : memref<2x16x512xf32, #tpu.memory_space<vmem>>, vector<16xf32>,
        %mul3A_259 = arith.mulf %get3A_254, %get3A_258 : vector<16xf32>
        %add3A_260 = arith.addf %add3A_250, %mul3A_259 : vector<16xf32>
        %get3A_261 = arith.index_cast %rem3A_59 : i32 to index
        %get3A_262 = arith.index_cast %scan3A_101 : i32 to index
        %get3A_263 = arith.constant 256 : index
        %get3A_264 = tpu.vector_load %arg9[%get3A_261, %get3A_262, %get3A_263] {strides = array<i32>} : memref<2x16x512xf32, #tpu.memory_space<vmem>>, vector<16xf32>,
        %get3A_265 = arith.index_cast %rem3A_59 : i32 to index
        %get3A_266 = arith.index_cast %scan3A_101 : i32 to index
        %get3A_267 = arith.constant 256 : index
        %get3A_268 = tpu.vector_load %arg10[%get3A_265, %get3A_266, %get3A_267] {strides = array<i32>} : memref<2x16x512xf32, #tpu.memory_space<vmem>>, vector<16xf32>,
        %mul3A_269 = arith.mulf %get3A_264, %get3A_268 : vector<16xf32>
        %add3A_270 = arith.addf %add3A_260, %mul3A_269 : vector<16xf32>
        %get3A_271 = arith.index_cast %rem3A_59 : i32 to index
        %get3A_272 = arith.index_cast %scan3A_101 : i32 to index
        %get3A_273 = arith.constant 272 : index
        %get3A_274 = tpu.vector_load %arg9[%get3A_271, %get3A_272, %get3A_273] {strides = array<i32>} : memref<2x16x512xf32, #tpu.memory_space<vmem>>, vector<16xf32>,
        %get3A_275 = arith.index_cast %rem3A_59 : i32 to index
        %get3A_276 = arith.index_cast %scan3A_101 : i32 to index
        %get3A_277 = arith.constant 272 : index
        %get3A_278 = tpu.vector_load %arg10[%get3A_275, %get3A_276, %get3A_277] {strides = array<i32>} : memref<2x16x512xf32, #tpu.memory_space<vmem>>, vector<16xf32>,
        %mul3A_279 = arith.mulf %get3A_274, %get3A_278 : vector<16xf32>
        %add3A_280 = arith.addf %add3A_270, %mul3A_279 : vector<16xf32>
        %get3A_281 = arith.index_cast %rem3A_59 : i32 to index
        %get3A_282 = arith.index_cast %scan3A_101 : i32 to index
        %get3A_283 = arith.constant 288 : index
        %get3A_284 = tpu.vector_load %arg9[%get3A_281, %get3A_282, %get3A_283] {strides = array<i32>} : memref<2x16x512xf32, #tpu.memory_space<vmem>>, vector<16xf32>,
        %get3A_285 = arith.index_cast %rem3A_59 : i32 to index
        %get3A_286 = arith.index_cast %scan3A_101 : i32 to index
        %get3A_287 = arith.constant 288 : index
        %get3A_288 = tpu.vector_load %arg10[%get3A_285, %get3A_286, %get3A_287] {strides = array<i32>} : memref<2x16x512xf32, #tpu.memory_space<vmem>>, vector<16xf32>,
        %mul3A_289 = arith.mulf %get3A_284, %get3A_288 : vector<16xf32>
        %add3A_290 = arith.addf %add3A_280, %mul3A_289 : vector<16xf32>
        %get3A_291 = arith.index_cast %rem3A_59 : i32 to index
        %get3A_292 = arith.index_cast %scan3A_101 : i32 to index
        %get3A_293 = arith.constant 304 : index
        %get3A_294 = tpu.vector_load %arg9[%get3A_291, %get3A_292, %get3A_293] {strides = array<i32>} : memref<2x16x512xf32, #tpu.memory_space<vmem>>, vector<16xf32>,
        %get3A_295 = arith.index_cast %rem3A_59 : i32 to index
        %get3A_296 = arith.index_cast %scan3A_101 : i32 to index
        %get3A_297 = arith.constant 304 : index
        %get3A_298 = tpu.vector_load %arg10[%get3A_295, %get3A_296, %get3A_297] {strides = array<i32>} : memref<2x16x512xf32, #tpu.memory_space<vmem>>, vector<16xf32>,
        %mul3A_299 = arith.mulf %get3A_294, %get3A_298 : vector<16xf32>
        %add3A_300 = arith.addf %add3A_290, %mul3A_299 : vector<16xf32>
        %get3A_301 = arith.index_cast %rem3A_59 : i32 to index
        %get3A_302 = arith.index_cast %scan3A_101 : i32 to index
        %get3A_303 = arith.constant 320 : index
        %get3A_304 = tpu.vector_load %arg9[%get3A_301, %get3A_302, %get3A_303] {strides = array<i32>} : memref<2x16x512xf32, #tpu.memory_space<vmem>>, vector<16xf32>,
        %get3A_305 = arith.index_cast %rem3A_59 : i32 to index
        %get3A_306 = arith.index_cast %scan3A_101 : i32 to index
        %get3A_307 = arith.constant 320 : index
        %get3A_308 = tpu.vector_load %arg10[%get3A_305, %get3A_306, %get3A_307] {strides = array<i32>} : memref<2x16x512xf32, #tpu.memory_space<vmem>>, vector<16xf32>,
        %mul3A_309 = arith.mulf %get3A_304, %get3A_308 : vector<16xf32>
        %add3A_310 = arith.addf %add3A_300, %mul3A_309 : vector<16xf32>
        %get3A_311 = arith.index_cast %rem3A_59 : i32 to index
        %get3A_312 = arith.index_cast %scan3A_101 : i32 to index
        %get3A_313 = arith.constant 336 : index
        %get3A_314 = tpu.vector_load %arg9[%get3A_311, %get3A_312, %get3A_313] {strides = array<i32>} : memref<2x16x512xf32, #tpu.memory_space<vmem>>, vector<16xf32>,
        %get3A_315 = arith.index_cast %rem3A_59 : i32 to index
        %get3A_316 = arith.index_cast %scan3A_101 : i32 to index
        %get3A_317 = arith.constant 336 : index
        %get3A_318 = tpu.vector_load %arg10[%get3A_315, %get3A_316, %get3A_317] {strides = array<i32>} : memref<2x16x512xf32, #tpu.memory_space<vmem>>, vector<16xf32>,
        %mul3A_319 = arith.mulf %get3A_314, %get3A_318 : vector<16xf32>
        %add3A_320 = arith.addf %add3A_310, %mul3A_319 : vector<16xf32>
        %get3A_321 = arith.index_cast %rem3A_59 : i32 to index
        %get3A_322 = arith.index_cast %scan3A_101 : i32 to index
        %get3A_323 = arith.constant 352 : index
        %get3A_324 = tpu.vector_load %arg9[%get3A_321, %get3A_322, %get3A_323] {strides = array<i32>} : memref<2x16x512xf32, #tpu.memory_space<vmem>>, vector<16xf32>,
        %get3A_325 = arith.index_cast %rem3A_59 : i32 to index
        %get3A_326 = arith.index_cast %scan3A_101 : i32 to index
        %get3A_327 = arith.constant 352 : index
        %get3A_328 = tpu.vector_load %arg10[%get3A_325, %get3A_326, %get3A_327] {strides = array<i32>} : memref<2x16x512xf32, #tpu.memory_space<vmem>>, vector<16xf32>,
        %mul3A_329 = arith.mulf %get3A_324, %get3A_328 : vector<16xf32>
        %add3A_330 = arith.addf %add3A_320, %mul3A_329 : vector<16xf32>
        %get3A_331 = arith.index_cast %rem3A_59 : i32 to index
        %get3A_332 = arith.index_cast %scan3A_101 : i32 to index
        %get3A_333 = arith.constant 368 : index
        %get3A_334 = tpu.vector_load %arg9[%get3A_331, %get3A_332, %get3A_333] {strides = array<i32>} : memref<2x16x512xf32, #tpu.memory_space<vmem>>, vector<16xf32>,
        %get3A_335 = arith.index_cast %rem3A_59 : i32 to index
        %get3A_336 = arith.index_cast %scan3A_101 : i32 to index
        %get3A_337 = arith.constant 368 : index
        %get3A_338 = tpu.vector_load %arg10[%get3A_335, %get3A_336, %get3A_337] {strides = array<i32>} : memref<2x16x512xf32, #tpu.memory_space<vmem>>, vector<16xf32>,
        %mul3A_339 = arith.mulf %get3A_334, %get3A_338 : vector<16xf32>
        %add3A_340 = arith.addf %add3A_330, %mul3A_339 : vector<16xf32>
        %get3A_341 = arith.index_cast %rem3A_59 : i32 to index
        %get3A_342 = arith.index_cast %scan3A_101 : i32 to index
        %get3A_343 = arith.constant 384 : index
        %get3A_344 = tpu.vector_load %arg9[%get3A_341, %get3A_342, %get3A_343] {strides = array<i32>} : memref<2x16x512xf32, #tpu.memory_space<vmem>>, vector<16xf32>,
        %get3A_345 = arith.index_cast %rem3A_59 : i32 to index
        %get3A_346 = arith.index_cast %scan3A_101 : i32 to index
        %get3A_347 = arith.constant 384 : index
        %get3A_348 = tpu.vector_load %arg10[%get3A_345, %get3A_346, %get3A_347] {strides = array<i32>} : memref<2x16x512xf32, #tpu.memory_space<vmem>>, vector<16xf32>,
        %mul3A_349 = arith.mulf %get3A_344, %get3A_348 : vector<16xf32>
        %add3A_350 = arith.addf %add3A_340, %mul3A_349 : vector<16xf32>
        %get3A_351 = arith.index_cast %rem3A_59 : i32 to index
        %get3A_352 = arith.index_cast %scan3A_101 : i32 to index
        %get3A_353 = arith.constant 400 : index
        %get3A_354 = tpu.vector_load %arg9[%get3A_351, %get3A_352, %get3A_353] {strides = array<i32>} : memref<2x16x512xf32, #tpu.memory_space<vmem>>, vector<16xf32>,
        %get3A_355 = arith.index_cast %rem3A_59 : i32 to index
        %get3A_356 = arith.index_cast %scan3A_101 : i32 to index
        %get3A_357 = arith.constant 400 : index
        %get3A_358 = tpu.vector_load %arg10[%get3A_355, %get3A_356, %get3A_357] {strides = array<i32>} : memref<2x16x512xf32, #tpu.memory_space<vmem>>, vector<16xf32>,
        %mul3A_359 = arith.mulf %get3A_354, %get3A_358 : vector<16xf32>
        %add3A_360 = arith.addf %add3A_350, %mul3A_359 : vector<16xf32>
        %get3A_361 = arith.index_cast %rem3A_59 : i32 to index
        %get3A_362 = arith.index_cast %scan3A_101 : i32 to index
        %get3A_363 = arith.constant 416 : index
        %get3A_364 = tpu.vector_load %arg9[%get3A_361, %get3A_362, %get3A_363] {strides = array<i32>} : memref<2x16x512xf32, #tpu.memory_space<vmem>>, vector<16xf32>,
        %get3A_365 = arith.index_cast %rem3A_59 : i32 to index
        %get3A_366 = arith.index_cast %scan3A_101 : i32 to index
        %get3A_367 = arith.constant 416 : index
        %get3A_368 = tpu.vector_load %arg10[%get3A_365, %get3A_366, %get3A_367] {strides = array<i32>} : memref<2x16x512xf32, #tpu.memory_space<vmem>>, vector<16xf32>,
        %mul3A_369 = arith.mulf %get3A_364, %get3A_368 : vector<16xf32>
        %add3A_370 = arith.addf %add3A_360, %mul3A_369 : vector<16xf32>
        %get3A_371 = arith.index_cast %rem3A_59 : i32 to index
        %get3A_372 = arith.index_cast %scan3A_101 : i32 to index
        %get3A_373 = arith.constant 432 : index
        %get3A_374 = tpu.vector_load %arg9[%get3A_371, %get3A_372, %get3A_373] {strides = array<i32>} : memref<2x16x512xf32, #tpu.memory_space<vmem>>, vector<16xf32>,
        %get3A_375 = arith.index_cast %rem3A_59 : i32 to index
        %get3A_376 = arith.index_cast %scan3A_101 : i32 to index
        %get3A_377 = arith.constant 432 : index
        %get3A_378 = tpu.vector_load %arg10[%get3A_375, %get3A_376, %get3A_377] {strides = array<i32>} : memref<2x16x512xf32, #tpu.memory_space<vmem>>, vector<16xf32>,
        %mul3A_379 = arith.mulf %get3A_374, %get3A_378 : vector<16xf32>
        %add3A_380 = arith.addf %add3A_370, %mul3A_379 : vector<16xf32>
        %get3A_381 = arith.index_cast %rem3A_59 : i32 to index
        %get3A_382 = arith.index_cast %scan3A_101 : i32 to index
        %get3A_383 = arith.constant 448 : index
        %get3A_384 = tpu.vector_load %arg9[%get3A_381, %get3A_382, %get3A_383] {strides = array<i32>} : memref<2x16x512xf32, #tpu.memory_space<vmem>>, vector<16xf32>,
        %get3A_385 = arith.index_cast %rem3A_59 : i32 to index
        %get3A_386 = arith.index_cast %scan3A_101 : i32 to index
        %get3A_387 = arith.constant 448 : index
        %get3A_388 = tpu.vector_load %arg10[%get3A_385, %get3A_386, %get3A_387] {strides = array<i32>} : memref<2x16x512xf32, #tpu.memory_space<vmem>>, vector<16xf32>,
        %mul3A_389 = arith.mulf %get3A_384, %get3A_388 : vector<16xf32>
        %add3A_390 = arith.addf %add3A_380, %mul3A_389 : vector<16xf32>
        %get3A_391 = arith.index_cast %rem3A_59 : i32 to index
        %get3A_392 = arith.index_cast %scan3A_101 : i32 to index
        %get3A_393 = arith.constant 464 : index
        %get3A_394 = tpu.vector_load %arg9[%get3A_391, %get3A_392, %get3A_393] {strides = array<i32>} : memref<2x16x512xf32, #tpu.memory_space<vmem>>, vector<16xf32>,
        %get3A_395 = arith.index_cast %rem3A_59 : i32 to index
        %get3A_396 = arith.index_cast %scan3A_101 : i32 to index
        %get3A_397 = arith.constant 464 : index
        %get3A_398 = tpu.vector_load %arg10[%get3A_395, %get3A_396, %get3A_397] {strides = array<i32>} : memref<2x16x512xf32, #tpu.memory_space<vmem>>, vector<16xf32>,
        %mul3A_399 = arith.mulf %get3A_394, %get3A_398 : vector<16xf32>
        %add3A_400 = arith.addf %add3A_390, %mul3A_399 : vector<16xf32>
        %get3A_401 = arith.index_cast %rem3A_59 : i32 to index
        %get3A_402 = arith.index_cast %scan3A_101 : i32 to index
        %get3A_403 = arith.constant 480 : index
        %get3A_404 = tpu.vector_load %arg9[%get3A_401, %get3A_402, %get3A_403] {strides = array<i32>} : memref<2x16x512xf32, #tpu.memory_space<vmem>>, vector<16xf32>,
        %get3A_405 = arith.index_cast %rem3A_59 : i32 to index
        %get3A_406 = arith.index_cast %scan3A_101 : i32 to index
        %get3A_407 = arith.constant 480 : index
        %get3A_408 = tpu.vector_load %arg10[%get3A_405, %get3A_406, %get3A_407] {strides = array<i32>} : memref<2x16x512xf32, #tpu.memory_space<vmem>>, vector<16xf32>,
        %mul3A_409 = arith.mulf %get3A_404, %get3A_408 : vector<16xf32>
        %add3A_410 = arith.addf %add3A_400, %mul3A_409 : vector<16xf32>
        %get3A_411 = arith.index_cast %rem3A_59 : i32 to index
        %get3A_412 = arith.index_cast %scan3A_101 : i32 to index
        %get3A_413 = arith.constant 496 : index
        %get3A_414 = tpu.vector_load %arg9[%get3A_411, %get3A_412, %get3A_413] {strides = array<i32>} : memref<2x16x512xf32, #tpu.memory_space<vmem>>, vector<16xf32>,
        %get3A_415 = arith.index_cast %rem3A_59 : i32 to index
        %get3A_416 = arith.index_cast %scan3A_101 : i32 to index
        %get3A_417 = arith.constant 496 : index
        %get3A_418 = tpu.vector_load %arg10[%get3A_415, %get3A_416, %get3A_417] {strides = array<i32>} : memref<2x16x512xf32, #tpu.memory_space<vmem>>, vector<16xf32>,
        %mul3A_419 = arith.mulf %get3A_414, %get3A_418 : vector<16xf32>
        %add3A_420 = arith.addf %add3A_410, %mul3A_419 : vector<16xf32>
        %reduce_sum3A = arith.constant true
        %reduce_sum3A_421 = vector.broadcast %reduce_sum3A : i1 to vector<16xi1>
        %reduce_sum3A_422 = tpu.scan <sum>, %add3A_420 masked %reduce_sum3A_421 : vector<16xf32>, vector<16xi1> -> vector<16xf32>
        %reduce_sum3A_423 = vector.extract %reduce_sum3A_422[15] : f32 from vector<16xf32>
        %eq3A = vector.broadcast %scan3A_101 : i32 to vector<16xi32>
        %eq3A_424 = arith.cmpi eq, %iota3A, %eq3A : vector<16xi32>
        %broadcast_in_dim3A_425 = vector.broadcast %reduce_sum3A_423 : f32 to vector<16xf32>
        %select_n3A_426 = arith.select %eq3A_424, %broadcast_in_dim3A_425, %scan3A_102 : vector<16xi1>, vector<16xf32>
        scf.yield %select_n3A_426 : vector<16xf32>
      }
      %scan3A_92 = arith.constant 16 : i32
      %neg3A = arith.constant 0.000000e+00 : f32
      %neg3A_93 = vector.broadcast %neg3A : f32 to vector<16xf32>
      %neg3A_94 = arith.subf %neg3A_93, %scan3A_91 : vector<16xf32>
      %exp3A = math.exp %neg3A_94 : vector<16xf32>
      %add3A_95 = arith.constant 1.000000e+00 : f32
      %add3A_96 = vector.broadcast %add3A_95 : f32 to vector<16xf32>
      %add3A_97 = arith.addf %add3A_96, %exp3A : vector<16xf32>
      %div3A = arith.constant 1.000000e+00 : f32
      %div3A_98 = vector.broadcast %div3A : f32 to vector<16xf32>
      %div3A_99 = arith.divf %div3A_98, %add3A_97 : vector<16xf32>
      %swap3A = arith.index_cast %mul3A_61 : i32 to index
      %swap3A_100 = tpu.vector_load %arg8[%swap3A] {strides = array<i32>} : memref<5008xf32, #tpu.memory_space<vmem>>, vector<16xf32>,
      tpu.vector_store %arg8[%swap3A], %div3A_99 {strides = array<i32>} : memref<5008xf32, #tpu.memory_space<vmem>>, vector<16xf32>,
    }
    %while3A_49 = arith.constant 1 : i32
    scf.for %while3A_58 = %while3A_47 to %while3A_43 step %while3A_49  : i32 {
      %rem3A = arith.constant 2 : i32
      %rem3A_59 = arith.remsi %while3A_58, %rem3A : i32
      %mul3A_60 = arith.constant 16 : i32
      %mul3A_61 = arith.muli %while3A_58, %mul3A_60 : i32
      %add3A_62 = arith.constant 1 : i32
      %add3A_63 = arith.addi %while3A_58, %add3A_62 : i32
      %lt3A_64 = arith.cmpi slt, %add3A_63, %select_n3A : i32
      %convert_element_type3A_65 = arith.extui %lt3A_64 : i1 to i32
      %cond3A_66 = arith.constant 0 : i32
      %cond3A_67 = arith.cmpi ne, %convert_element_type3A_65, %cond3A_66 : i32
      scf.if %cond3A_67 {
        %add3A_101 = arith.constant 1 : i32
        %add3A_102 = arith.addi %while3A_58, %add3A_101 : i32
        %sub3A_103 = arith.constant 1 : i32
        %sub3A_104 = arith.subi %sub3A_103, %rem3A_59 : i32
        %mul3A_105 = arith.constant 16 : i32
        %mul3A_106 = arith.muli %add3A_102, %mul3A_105 : i32
        %dma_start3A_107 = arith.constant 0 : i32
        %dma_start3A_108 = arith.constant 0 : i32
        %dma_start3A_109 = tpu.memref_slice %arg9[%sub3A_104, %dma_start3A_107, %dma_start3A_108] : memref<2x16x512xf32, #tpu.memory_space<vmem>> -> memref<1x16x512xf32, #tpu.memory_space<vmem>>
        %dma_start3A_110 = tpu.memref_squeeze %dma_start3A_109 : memref<1x16x512xf32, #tpu.memory_space<vmem>> -> memref<16x512xf32, #tpu.memory_space<vmem>>
        %dma_start3A_111 = tpu.memref_slice %arg6[%mul3A_106] : memref<5008xi32, #tpu.memory_space<vmem>> -> memref<16xi32, #tpu.memory_space<vmem>>
        %dma_start3A_112 = arith.constant 0 : i32
        %dma_start3A_113 = arith.constant 0 : i32
        %dma_start3A_114 = tpu.memref_slice %arg2[%dma_start3A_112, %dma_start3A_113] : memref<10000x512xf32, #tpu.memory_space<hbm>> -> memref<10000x512xf32, #tpu.memory_space<hbm>>
        %dma_start3A_115 = tpu.memref_slice %arg11[%sub3A_104] : memref<2x!tpu.dma_semaphore, #tpu.memory_space<semaphore_mem>> -> memref<1x!tpu.dma_semaphore, #tpu.memory_space<semaphore_mem>>
        %dma_start3A_116 = tpu.memref_squeeze %dma_start3A_115 : memref<1x!tpu.dma_semaphore, #tpu.memory_space<semaphore_mem>> -> memref<!tpu.dma_semaphore, #tpu.memory_space<semaphore_mem>>
        tpu.enqueue_indirect_dma source(%dma_start3A_114 : memref<10000x512xf32, #tpu.memory_space<hbm>>) target(%dma_start3A_110 : memref<16x512xf32, #tpu.memory_space<vmem>>) offsets(%dma_start3A_111 : memref<16xi32, #tpu.memory_space<vmem>>) semaphore(%dma_start3A_116 : memref<!tpu.dma_semaphore, #tpu.memory_space<semaphore_mem>>)
        %dma_start3A_117 = arith.constant 0 : i32
        %dma_start3A_118 = arith.constant 0 : i32
        %dma_start3A_119 = tpu.memref_slice %arg10[%sub3A_104, %dma_start3A_117, %dma_start3A_118] : memref<2x16x512xf32, #tpu.memory_space<vmem>> -> memref<1x16x512xf32, #tpu.memory_space<vmem>>
        %dma_start3A_120 = tpu.memref_squeeze %dma_start3A_119 : memref<1x16x512xf32, #tpu.memory_space<vmem>> -> memref<16x512xf32, #tpu.memory_space<vmem>>
        %dma_start3A_121 = tpu.memref_slice %arg7[%mul3A_106] : memref<5008xi32, #tpu.memory_space<vmem>> -> memref<16xi32, #tpu.memory_space<vmem>>
        %dma_start3A_122 = arith.constant 0 : i32
        %dma_start3A_123 = arith.constant 0 : i32
        %dma_start3A_124 = tpu.memref_slice %arg2[%dma_start3A_122, %dma_start3A_123] : memref<10000x512xf32, #tpu.memory_space<hbm>> -> memref<10000x512xf32, #tpu.memory_space<hbm>>
        %dma_start3A_125 = tpu.memref_slice %arg12[%sub3A_104] : memref<2x!tpu.dma_semaphore, #tpu.memory_space<semaphore_mem>> -> memref<1x!tpu.dma_semaphore, #tpu.memory_space<semaphore_mem>>
        %dma_start3A_126 = tpu.memref_squeeze %dma_start3A_125 : memref<1x!tpu.dma_semaphore, #tpu.memory_space<semaphore_mem>> -> memref<!tpu.dma_semaphore, #tpu.memory_space<semaphore_mem>>
        tpu.enqueue_indirect_dma source(%dma_start3A_124 : memref<10000x512xf32, #tpu.memory_space<hbm>>) target(%dma_start3A_120 : memref<16x512xf32, #tpu.memory_space<vmem>>) offsets(%dma_start3A_121 : memref<16xi32, #tpu.memory_space<vmem>>) semaphore(%dma_start3A_126 : memref<!tpu.dma_semaphore, #tpu.memory_space<semaphore_mem>>)
      } else {
      }
      %dma_wait3A = arith.constant 0 : i32
      %dma_wait3A_68 = arith.constant 0 : i32
      %dma_wait3A_69 = tpu.memref_slice %arg9[%rem3A_59, %dma_wait3A, %dma_wait3A_68] : memref<2x16x512xf32, #tpu.memory_space<vmem>> -> memref<1x16x512xf32, #tpu.memory_space<vmem>>
      %dma_wait3A_70 = tpu.memref_squeeze %dma_wait3A_69 : memref<1x16x512xf32, #tpu.memory_space<vmem>> -> memref<16x512xf32, #tpu.memory_space<vmem>>
      %dma_wait3A_71 = tpu.memref_slice %arg6[%mul3A_61] : memref<5008xi32, #tpu.memory_space<vmem>> -> memref<16xi32, #tpu.memory_space<vmem>>
      %dma_wait3A_72 = arith.constant 0 : i32
      %dma_wait3A_73 = arith.constant 0 : i32
      %dma_wait3A_74 = tpu.memref_slice %arg2[%dma_wait3A_72, %dma_wait3A_73] : memref<10000x512xf32, #tpu.memory_space<hbm>> -> memref<10000x512xf32, #tpu.memory_space<hbm>>
      %dma_wait3A_75 = tpu.memref_slice %arg11[%rem3A_59] : memref<2x!tpu.dma_semaphore, #tpu.memory_space<semaphore_mem>> -> memref<1x!tpu.dma_semaphore, #tpu.memory_space<semaphore_mem>>
      %dma_wait3A_76 = tpu.memref_squeeze %dma_wait3A_75 : memref<1x!tpu.dma_semaphore, #tpu.memory_space<semaphore_mem>> -> memref<!tpu.dma_semaphore, #tpu.memory_space<semaphore_mem>>
      tpu.wait_indirect_dma semaphore(%dma_wait3A_76 : memref<!tpu.dma_semaphore, #tpu.memory_space<semaphore_mem>>) src(%dma_wait3A_74 : memref<10000x512xf32, #tpu.memory_space<hbm>>) dst(%dma_wait3A_70 : memref<16x512xf32, #tpu.memory_space<vmem>>)
      %dma_wait3A_77 = arith.constant 0 : i32
      %dma_wait3A_78 = arith.constant 0 : i32
      %dma_wait3A_79 = tpu.memref_slice %arg10[%rem3A_59, %dma_wait3A_77, %dma_wait3A_78] : memref<2x16x512xf32, #tpu.memory_space<vmem>> -> memref<1x16x512xf32, #tpu.memory_space<vmem>>
      %dma_wait3A_80 = tpu.memref_squeeze %dma_wait3A_79 : memref<1x16x512xf32, #tpu.memory_space<vmem>> -> memref<16x512xf32, #tpu.memory_space<vmem>>
      %dma_wait3A_81 = tpu.memref_slice %arg7[%mul3A_61] : memref<5008xi32, #tpu.memory_space<vmem>> -> memref<16xi32, #tpu.memory_space<vmem>>
      %dma_wait3A_82 = arith.constant 0 : i32
      %dma_wait3A_83 = arith.constant 0 : i32
      %dma_wait3A_84 = tpu.memref_slice %arg2[%dma_wait3A_82, %dma_wait3A_83] : memref<10000x512xf32, #tpu.memory_space<hbm>> -> memref<10000x512xf32, #tpu.memory_space<hbm>>
      %dma_wait3A_85 = tpu.memref_slice %arg12[%rem3A_59] : memref<2x!tpu.dma_semaphore, #tpu.memory_space<semaphore_mem>> -> memref<1x!tpu.dma_semaphore, #tpu.memory_space<semaphore_mem>>
      %dma_wait3A_86 = tpu.memref_squeeze %dma_wait3A_85 : memref<1x!tpu.dma_semaphore, #tpu.memory_space<semaphore_mem>> -> memref<!tpu.dma_semaphore, #tpu.memory_space<semaphore_mem>>
      tpu.wait_indirect_dma semaphore(%dma_wait3A_86 : memref<!tpu.dma_semaphore, #tpu.memory_space<semaphore_mem>>) src(%dma_wait3A_84 : memref<10000x512xf32, #tpu.memory_space<hbm>>) dst(%dma_wait3A_80 : memref<16x512xf32, #tpu.memory_space<vmem>>)
      %broadcast_in_dim3A = arith.constant 0.000000e+00 : f32
      %broadcast_in_dim3A_87 = vector.broadcast %broadcast_in_dim3A : f32 to vector<16xf32>
      %scan3A = arith.constant 0 : i32
      %scan3A_88 = arith.constant 16 : i32
      %scan3A_89 = arith.addi %scan3A, %scan3A_88 : i32
      %scan3A_90 = arith.constant 1 : i32
      %scan3A_91 = scf.for %scan3A_101 = %scan3A to %scan3A_89 step %scan3A_90 iter_args(%scan3A_102 = %broadcast_in_dim3A_87) -> (vector<16xf32>)  : i32 {
        %get3A = arith.index_cast %rem3A_59 : i32 to index
        %get3A_103 = arith.index_cast %scan3A_101 : i32 to index
        %get3A_104 = arith.constant 0 : index
        %get3A_105 = tpu.vector_load %arg9[%get3A, %get3A_103, %get3A_104] {strides = array<i32>} : memref<2x16x512xf32, #tpu.memory_space<vmem>>, vector<16xf32>,
        %get3A_106 = arith.index_cast %rem3A_59 : i32 to index
        %get3A_107 = arith.index_cast %scan3A_101 : i32 to index
        %get3A_108 = arith.constant 0 : index
        %get3A_109 = tpu.vector_load %arg10[%get3A_106, %get3A_107, %get3A_108] {strides = array<i32>} : memref<2x16x512xf32, #tpu.memory_space<vmem>>, vector<16xf32>,
        %mul3A_110 = arith.mulf %get3A_105, %get3A_109 : vector<16xf32>
        %get3A_111 = arith.index_cast %rem3A_59 : i32 to index
        %get3A_112 = arith.index_cast %scan3A_101 : i32 to index
        %get3A_113 = arith.constant 16 : index
        %get3A_114 = tpu.vector_load %arg9[%get3A_111, %get3A_112, %get3A_113] {strides = array<i32>} : memref<2x16x512xf32, #tpu.memory_space<vmem>>, vector<16xf32>,
        %get3A_115 = arith.index_cast %rem3A_59 : i32 to index
        %get3A_116 = arith.index_cast %scan3A_101 : i32 to index
        %get3A_117 = arith.constant 16 : index
        %get3A_118 = tpu.vector_load %arg10[%get3A_115, %get3A_116, %get3A_117] {strides = array<i32>} : memref<2x16x512xf32, #tpu.memory_space<vmem>>, vector<16xf32>,
        %mul3A_119 = arith.mulf %get3A_114, %get3A_118 : vector<16xf32>
        %add3A_120 = arith.addf %mul3A_110, %mul3A_119 : vector<16xf32>
        %get3A_121 = arith.index_cast %rem3A_59 : i32 to index
        %get3A_122 = arith.index_cast %scan3A_101 : i32 to index
        %get3A_123 = arith.constant 32 : index
        %get3A_124 = tpu.vector_load %arg9[%get3A_121, %get3A_122, %get3A_123] {strides = array<i32>} : memref<2x16x512xf32, #tpu.memory_space<vmem>>, vector<16xf32>,
        %get3A_125 = arith.index_cast %rem3A_59 : i32 to index
        %get3A_126 = arith.index_cast %scan3A_101 : i32 to index
        %get3A_127 = arith.constant 32 : index
        %get3A_128 = tpu.vector_load %arg10[%get3A_125, %get3A_126, %get3A_127] {strides = array<i32>} : memref<2x16x512xf32, #tpu.memory_space<vmem>>, vector<16xf32>,
        %mul3A_129 = arith.mulf %get3A_124, %get3A_128 : vector<16xf32>
        %add3A_130 = arith.addf %add3A_120, %mul3A_129 : vector<16xf32>
        %get3A_131 = arith.index_cast %rem3A_59 : i32 to index
        %get3A_132 = arith.index_cast %scan3A_101 : i32 to index
        %get3A_133 = arith.constant 48 : index
        %get3A_134 = tpu.vector_load %arg9[%get3A_131, %get3A_132, %get3A_133] {strides = array<i32>} : memref<2x16x512xf32, #tpu.memory_space<vmem>>, vector<16xf32>,
        %get3A_135 = arith.index_cast %rem3A_59 : i32 to index
        %get3A_136 = arith.index_cast %scan3A_101 : i32 to index
        %get3A_137 = arith.constant 48 : index
        %get3A_138 = tpu.vector_load %arg10[%get3A_135, %get3A_136, %get3A_137] {strides = array<i32>} : memref<2x16x512xf32, #tpu.memory_space<vmem>>, vector<16xf32>,
        %mul3A_139 = arith.mulf %get3A_134, %get3A_138 : vector<16xf32>
        %add3A_140 = arith.addf %add3A_130, %mul3A_139 : vector<16xf32>
        %get3A_141 = arith.index_cast %rem3A_59 : i32 to index
        %get3A_142 = arith.index_cast %scan3A_101 : i32 to index
        %get3A_143 = arith.constant 64 : index
        %get3A_144 = tpu.vector_load %arg9[%get3A_141, %get3A_142, %get3A_143] {strides = array<i32>} : memref<2x16x512xf32, #tpu.memory_space<vmem>>, vector<16xf32>,
        %get3A_145 = arith.index_cast %rem3A_59 : i32 to index
        %get3A_146 = arith.index_cast %scan3A_101 : i32 to index
        %get3A_147 = arith.constant 64 : index
        %get3A_148 = tpu.vector_load %arg10[%get3A_145, %get3A_146, %get3A_147] {strides = array<i32>} : memref<2x16x512xf32, #tpu.memory_space<vmem>>, vector<16xf32>,
        %mul3A_149 = arith.mulf %get3A_144, %get3A_148 : vector<16xf32>
        %add3A_150 = arith.addf %add3A_140, %mul3A_149 : vector<16xf32>
        %get3A_151 = arith.index_cast %rem3A_59 : i32 to index
        %get3A_152 = arith.index_cast %scan3A_101 : i32 to index
        %get3A_153 = arith.constant 80 : index
        %get3A_154 = tpu.vector_load %arg9[%get3A_151, %get3A_152, %get3A_153] {strides = array<i32>} : memref<2x16x512xf32, #tpu.memory_space<vmem>>, vector<16xf32>,
        %get3A_155 = arith.index_cast %rem3A_59 : i32 to index
        %get3A_156 = arith.index_cast %scan3A_101 : i32 to index
        %get3A_157 = arith.constant 80 : index
        %get3A_158 = tpu.vector_load %arg10[%get3A_155, %get3A_156, %get3A_157] {strides = array<i32>} : memref<2x16x512xf32, #tpu.memory_space<vmem>>, vector<16xf32>,
        %mul3A_159 = arith.mulf %get3A_154, %get3A_158 : vector<16xf32>
        %add3A_160 = arith.addf %add3A_150, %mul3A_159 : vector<16xf32>
        %get3A_161 = arith.index_cast %rem3A_59 : i32 to index
        %get3A_162 = arith.index_cast %scan3A_101 : i32 to index
        %get3A_163 = arith.constant 96 : index
        %get3A_164 = tpu.vector_load %arg9[%get3A_161, %get3A_162, %get3A_163] {strides = array<i32>} : memref<2x16x512xf32, #tpu.memory_space<vmem>>, vector<16xf32>,
        %get3A_165 = arith.index_cast %rem3A_59 : i32 to index
        %get3A_166 = arith.index_cast %scan3A_101 : i32 to index
        %get3A_167 = arith.constant 96 : index
        %get3A_168 = tpu.vector_load %arg10[%get3A_165, %get3A_166, %get3A_167] {strides = array<i32>} : memref<2x16x512xf32, #tpu.memory_space<vmem>>, vector<16xf32>,
        %mul3A_169 = arith.mulf %get3A_164, %get3A_168 : vector<16xf32>
        %add3A_170 = arith.addf %add3A_160, %mul3A_169 : vector<16xf32>
        %get3A_171 = arith.index_cast %rem3A_59 : i32 to index
        %get3A_172 = arith.index_cast %scan3A_101 : i32 to index
        %get3A_173 = arith.constant 112 : index
        %get3A_174 = tpu.vector_load %arg9[%get3A_171, %get3A_172, %get3A_173] {strides = array<i32>} : memref<2x16x512xf32, #tpu.memory_space<vmem>>, vector<16xf32>,
        %get3A_175 = arith.index_cast %rem3A_59 : i32 to index
        %get3A_176 = arith.index_cast %scan3A_101 : i32 to index
        %get3A_177 = arith.constant 112 : index
        %get3A_178 = tpu.vector_load %arg10[%get3A_175, %get3A_176, %get3A_177] {strides = array<i32>} : memref<2x16x512xf32, #tpu.memory_space<vmem>>, vector<16xf32>,
        %mul3A_179 = arith.mulf %get3A_174, %get3A_178 : vector<16xf32>
        %add3A_180 = arith.addf %add3A_170, %mul3A_179 : vector<16xf32>
        %get3A_181 = arith.index_cast %rem3A_59 : i32 to index
        %get3A_182 = arith.index_cast %scan3A_101 : i32 to index
        %get3A_183 = arith.constant 128 : index
        %get3A_184 = tpu.vector_load %arg9[%get3A_181, %get3A_182, %get3A_183] {strides = array<i32>} : memref<2x16x512xf32, #tpu.memory_space<vmem>>, vector<16xf32>,
        %get3A_185 = arith.index_cast %rem3A_59 : i32 to index
        %get3A_186 = arith.index_cast %scan3A_101 : i32 to index
        %get3A_187 = arith.constant 128 : index
        %get3A_188 = tpu.vector_load %arg10[%get3A_185, %get3A_186, %get3A_187] {strides = array<i32>} : memref<2x16x512xf32, #tpu.memory_space<vmem>>, vector<16xf32>,
        %mul3A_189 = arith.mulf %get3A_184, %get3A_188 : vector<16xf32>
        %add3A_190 = arith.addf %add3A_180, %mul3A_189 : vector<16xf32>
        %get3A_191 = arith.index_cast %rem3A_59 : i32 to index
        %get3A_192 = arith.index_cast %scan3A_101 : i32 to index
        %get3A_193 = arith.constant 144 : index
        %get3A_194 = tpu.vector_load %arg9[%get3A_191, %get3A_192, %get3A_193] {strides = array<i32>} : memref<2x16x512xf32, #tpu.memory_space<vmem>>, vector<16xf32>,
        %get3A_195 = arith.index_cast %rem3A_59 : i32 to index
        %get3A_196 = arith.index_cast %scan3A_101 : i32 to index
        %get3A_197 = arith.constant 144 : index
        %get3A_198 = tpu.vector_load %arg10[%get3A_195, %get3A_196, %get3A_197] {strides = array<i32>} : memref<2x16x512xf32, #tpu.memory_space<vmem>>, vector<16xf32>,
        %mul3A_199 = arith.mulf %get3A_194, %get3A_198 : vector<16xf32>
        %add3A_200 = arith.addf %add3A_190, %mul3A_199 : vector<16xf32>
        %get3A_201 = arith.index_cast %rem3A_59 : i32 to index
        %get3A_202 = arith.index_cast %scan3A_101 : i32 to index
        %get3A_203 = arith.constant 160 : index
        %get3A_204 = tpu.vector_load %arg9[%get3A_201, %get3A_202, %get3A_203] {strides = array<i32>} : memref<2x16x512xf32, #tpu.memory_space<vmem>>, vector<16xf32>,
        %get3A_205 = arith.index_cast %rem3A_59 : i32 to index
        %get3A_206 = arith.index_cast %scan3A_101 : i32 to index
        %get3A_207 = arith.constant 160 : index
        %get3A_208 = tpu.vector_load %arg10[%get3A_205, %get3A_206, %get3A_207] {strides = array<i32>} : memref<2x16x512xf32, #tpu.memory_space<vmem>>, vector<16xf32>,
        %mul3A_209 = arith.mulf %get3A_204, %get3A_208 : vector<16xf32>
        %add3A_210 = arith.addf %add3A_200, %mul3A_209 : vector<16xf32>
        %get3A_211 = arith.index_cast %rem3A_59 : i32 to index
        %get3A_212 = arith.index_cast %scan3A_101 : i32 to index
        %get3A_213 = arith.constant 176 : index
        %get3A_214 = tpu.vector_load %arg9[%get3A_211, %get3A_212, %get3A_213] {strides = array<i32>} : memref<2x16x512xf32, #tpu.memory_space<vmem>>, vector<16xf32>,
        %get3A_215 = arith.index_cast %rem3A_59 : i32 to index
        %get3A_216 = arith.index_cast %scan3A_101 : i32 to index
        %get3A_217 = arith.constant 176 : index
        %get3A_218 = tpu.vector_load %arg10[%get3A_215, %get3A_216, %get3A_217] {strides = array<i32>} : memref<2x16x512xf32, #tpu.memory_space<vmem>>, vector<16xf32>,
        %mul3A_219 = arith.mulf %get3A_214, %get3A_218 : vector<16xf32>
        %add3A_220 = arith.addf %add3A_210, %mul3A_219 : vector<16xf32>
        %get3A_221 = arith.index_cast %rem3A_59 : i32 to index
        %get3A_222 = arith.index_cast %scan3A_101 : i32 to index
        %get3A_223 = arith.constant 192 : index
        %get3A_224 = tpu.vector_load %arg9[%get3A_221, %get3A_222, %get3A_223] {strides = array<i32>} : memref<2x16x512xf32, #tpu.memory_space<vmem>>, vector<16xf32>,
        %get3A_225 = arith.index_cast %rem3A_59 : i32 to index
        %get3A_226 = arith.index_cast %scan3A_101 : i32 to index
        %get3A_227 = arith.constant 192 : index
        %get3A_228 = tpu.vector_load %arg10[%get3A_225, %get3A_226, %get3A_227] {strides = array<i32>} : memref<2x16x512xf32, #tpu.memory_space<vmem>>, vector<16xf32>,
        %mul3A_229 = arith.mulf %get3A_224, %get3A_228 : vector<16xf32>
        %add3A_230 = arith.addf %add3A_220, %mul3A_229 : vector<16xf32>
        %get3A_231 = arith.index_cast %rem3A_59 : i32 to index
        %get3A_232 = arith.index_cast %scan3A_101 : i32 to index
        %get3A_233 = arith.constant 208 : index
        %get3A_234 = tpu.vector_load %arg9[%get3A_231, %get3A_232, %get3A_233] {strides = array<i32>} : memref<2x16x512xf32, #tpu.memory_space<vmem>>, vector<16xf32>,
        %get3A_235 = arith.index_cast %rem3A_59 : i32 to index
        %get3A_236 = arith.index_cast %scan3A_101 : i32 to index
        %get3A_237 = arith.constant 208 : index
        %get3A_238 = tpu.vector_load %arg10[%get3A_235, %get3A_236, %get3A_237] {strides = array<i32>} : memref<2x16x512xf32, #tpu.memory_space<vmem>>, vector<16xf32>,
        %mul3A_239 = arith.mulf %get3A_234, %get3A_238 : vector<16xf32>
        %add3A_240 = arith.addf %add3A_230, %mul3A_239 : vector<16xf32>
        %get3A_241 = arith.index_cast %rem3A_59 : i32 to index
        %get3A_242 = arith.index_cast %scan3A_101 : i32 to index
        %get3A_243 = arith.constant 224 : index
        %get3A_244 = tpu.vector_load %arg9[%get3A_241, %get3A_242, %get3A_243] {strides = array<i32>} : memref<2x16x512xf32, #tpu.memory_space<vmem>>, vector<16xf32>,
        %get3A_245 = arith.index_cast %rem3A_59 : i32 to index
        %get3A_246 = arith.index_cast %scan3A_101 : i32 to index
        %get3A_247 = arith.constant 224 : index
        %get3A_248 = tpu.vector_load %arg10[%get3A_245, %get3A_246, %get3A_247] {strides = array<i32>} : memref<2x16x512xf32, #tpu.memory_space<vmem>>, vector<16xf32>,
        %mul3A_249 = arith.mulf %get3A_244, %get3A_248 : vector<16xf32>
        %add3A_250 = arith.addf %add3A_240, %mul3A_249 : vector<16xf32>
        %get3A_251 = arith.index_cast %rem3A_59 : i32 to index
        %get3A_252 = arith.index_cast %scan3A_101 : i32 to index
        %get3A_253 = arith.constant 240 : index
        %get3A_254 = tpu.vector_load %arg9[%get3A_251, %get3A_252, %get3A_253] {strides = array<i32>} : memref<2x16x512xf32, #tpu.memory_space<vmem>>, vector<16xf32>,
        %get3A_255 = arith.index_cast %rem3A_59 : i32 to index
        %get3A_256 = arith.index_cast %scan3A_101 : i32 to index
        %get3A_257 = arith.constant 240 : index
        %get3A_258 = tpu.vector_load %arg10[%get3A_255, %get3A_256, %get3A_257] {strides = array<i32>} : memref<2x16x512xf32, #tpu.memory_space<vmem>>, vector<16xf32>,
        %mul3A_259 = arith.mulf %get3A_254, %get3A_258 : vector<16xf32>
        %add3A_260 = arith.addf %add3A_250, %mul3A_259 : vector<16xf32>
        %get3A_261 = arith.index_cast %rem3A_59 : i32 to index
        %get3A_262 = arith.index_cast %scan3A_101 : i32 to index
        %get3A_263 = arith.constant 256 : index
        %get3A_264 = tpu.vector_load %arg9[%get3A_261, %get3A_262, %get3A_263] {strides = array<i32>} : memref<2x16x512xf32, #tpu.memory_space<vmem>>, vector<16xf32>,
        %get3A_265 = arith.index_cast %rem3A_59 : i32 to index
        %get3A_266 = arith.index_cast %scan3A_101 : i32 to index
        %get3A_267 = arith.constant 256 : index
        %get3A_268 = tpu.vector_load %arg10[%get3A_265, %get3A_266, %get3A_267] {strides = array<i32>} : memref<2x16x512xf32, #tpu.memory_space<vmem>>, vector<16xf32>,
        %mul3A_269 = arith.mulf %get3A_264, %get3A_268 : vector<16xf32>
        %add3A_270 = arith.addf %add3A_260, %mul3A_269 : vector<16xf32>
        %get3A_271 = arith.index_cast %rem3A_59 : i32 to index
        %get3A_272 = arith.index_cast %scan3A_101 : i32 to index
        %get3A_273 = arith.constant 272 : index
        %get3A_274 = tpu.vector_load %arg9[%get3A_271, %get3A_272, %get3A_273] {strides = array<i32>} : memref<2x16x512xf32, #tpu.memory_space<vmem>>, vector<16xf32>,
        %get3A_275 = arith.index_cast %rem3A_59 : i32 to index
        %get3A_276 = arith.index_cast %scan3A_101 : i32 to index
        %get3A_277 = arith.constant 272 : index
        %get3A_278 = tpu.vector_load %arg10[%get3A_275, %get3A_276, %get3A_277] {strides = array<i32>} : memref<2x16x512xf32, #tpu.memory_space<vmem>>, vector<16xf32>,
        %mul3A_279 = arith.mulf %get3A_274, %get3A_278 : vector<16xf32>
        %add3A_280 = arith.addf %add3A_270, %mul3A_279 : vector<16xf32>
        %get3A_281 = arith.index_cast %rem3A_59 : i32 to index
        %get3A_282 = arith.index_cast %scan3A_101 : i32 to index
        %get3A_283 = arith.constant 288 : index
        %get3A_284 = tpu.vector_load %arg9[%get3A_281, %get3A_282, %get3A_283] {strides = array<i32>} : memref<2x16x512xf32, #tpu.memory_space<vmem>>, vector<16xf32>,
        %get3A_285 = arith.index_cast %rem3A_59 : i32 to index
        %get3A_286 = arith.index_cast %scan3A_101 : i32 to index
        %get3A_287 = arith.constant 288 : index
        %get3A_288 = tpu.vector_load %arg10[%get3A_285, %get3A_286, %get3A_287] {strides = array<i32>} : memref<2x16x512xf32, #tpu.memory_space<vmem>>, vector<16xf32>,
        %mul3A_289 = arith.mulf %get3A_284, %get3A_288 : vector<16xf32>
        %add3A_290 = arith.addf %add3A_280, %mul3A_289 : vector<16xf32>
        %get3A_291 = arith.index_cast %rem3A_59 : i32 to index
        %get3A_292 = arith.index_cast %scan3A_101 : i32 to index
        %get3A_293 = arith.constant 304 : index
        %get3A_294 = tpu.vector_load %arg9[%get3A_291, %get3A_292, %get3A_293] {strides = array<i32>} : memref<2x16x512xf32, #tpu.memory_space<vmem>>, vector<16xf32>,
        %get3A_295 = arith.index_cast %rem3A_59 : i32 to index
        %get3A_296 = arith.index_cast %scan3A_101 : i32 to index
        %get3A_297 = arith.constant 304 : index
        %get3A_298 = tpu.vector_load %arg10[%get3A_295, %get3A_296, %get3A_297] {strides = array<i32>} : memref<2x16x512xf32, #tpu.memory_space<vmem>>, vector<16xf32>,
        %mul3A_299 = arith.mulf %get3A_294, %get3A_298 : vector<16xf32>
        %add3A_300 = arith.addf %add3A_290, %mul3A_299 : vector<16xf32>
        %get3A_301 = arith.index_cast %rem3A_59 : i32 to index
        %get3A_302 = arith.index_cast %scan3A_101 : i32 to index
        %get3A_303 = arith.constant 320 : index
        %get3A_304 = tpu.vector_load %arg9[%get3A_301, %get3A_302, %get3A_303] {strides = array<i32>} : memref<2x16x512xf32, #tpu.memory_space<vmem>>, vector<16xf32>,
        %get3A_305 = arith.index_cast %rem3A_59 : i32 to index
        %get3A_306 = arith.index_cast %scan3A_101 : i32 to index
        %get3A_307 = arith.constant 320 : index
        %get3A_308 = tpu.vector_load %arg10[%get3A_305, %get3A_306, %get3A_307] {strides = array<i32>} : memref<2x16x512xf32, #tpu.memory_space<vmem>>, vector<16xf32>,
        %mul3A_309 = arith.mulf %get3A_304, %get3A_308 : vector<16xf32>
        %add3A_310 = arith.addf %add3A_300, %mul3A_309 : vector<16xf32>
        %get3A_311 = arith.index_cast %rem3A_59 : i32 to index
        %get3A_312 = arith.index_cast %scan3A_101 : i32 to index
        %get3A_313 = arith.constant 336 : index
        %get3A_314 = tpu.vector_load %arg9[%get3A_311, %get3A_312, %get3A_313] {strides = array<i32>} : memref<2x16x512xf32, #tpu.memory_space<vmem>>, vector<16xf32>,
        %get3A_315 = arith.index_cast %rem3A_59 : i32 to index
        %get3A_316 = arith.index_cast %scan3A_101 : i32 to index
        %get3A_317 = arith.constant 336 : index
        %get3A_318 = tpu.vector_load %arg10[%get3A_315, %get3A_316, %get3A_317] {strides = array<i32>} : memref<2x16x512xf32, #tpu.memory_space<vmem>>, vector<16xf32>,
        %mul3A_319 = arith.mulf %get3A_314, %get3A_318 : vector<16xf32>
        %add3A_320 = arith.addf %add3A_310, %mul3A_319 : vector<16xf32>
        %get3A_321 = arith.index_cast %rem3A_59 : i32 to index
        %get3A_322 = arith.index_cast %scan3A_101 : i32 to index
        %get3A_323 = arith.constant 352 : index
        %get3A_324 = tpu.vector_load %arg9[%get3A_321, %get3A_322, %get3A_323] {strides = array<i32>} : memref<2x16x512xf32, #tpu.memory_space<vmem>>, vector<16xf32>,
        %get3A_325 = arith.index_cast %rem3A_59 : i32 to index
        %get3A_326 = arith.index_cast %scan3A_101 : i32 to index
        %get3A_327 = arith.constant 352 : index
        %get3A_328 = tpu.vector_load %arg10[%get3A_325, %get3A_326, %get3A_327] {strides = array<i32>} : memref<2x16x512xf32, #tpu.memory_space<vmem>>, vector<16xf32>,
        %mul3A_329 = arith.mulf %get3A_324, %get3A_328 : vector<16xf32>
        %add3A_330 = arith.addf %add3A_320, %mul3A_329 : vector<16xf32>
        %get3A_331 = arith.index_cast %rem3A_59 : i32 to index
        %get3A_332 = arith.index_cast %scan3A_101 : i32 to index
        %get3A_333 = arith.constant 368 : index
        %get3A_334 = tpu.vector_load %arg9[%get3A_331, %get3A_332, %get3A_333] {strides = array<i32>} : memref<2x16x512xf32, #tpu.memory_space<vmem>>, vector<16xf32>,
        %get3A_335 = arith.index_cast %rem3A_59 : i32 to index
        %get3A_336 = arith.index_cast %scan3A_101 : i32 to index
        %get3A_337 = arith.constant 368 : index
        %get3A_338 = tpu.vector_load %arg10[%get3A_335, %get3A_336, %get3A_337] {strides = array<i32>} : memref<2x16x512xf32, #tpu.memory_space<vmem>>, vector<16xf32>,
        %mul3A_339 = arith.mulf %get3A_334, %get3A_338 : vector<16xf32>
        %add3A_340 = arith.addf %add3A_330, %mul3A_339 : vector<16xf32>
        %get3A_341 = arith.index_cast %rem3A_59 : i32 to index
        %get3A_342 = arith.index_cast %scan3A_101 : i32 to index
        %get3A_343 = arith.constant 384 : index
        %get3A_344 = tpu.vector_load %arg9[%get3A_341, %get3A_342, %get3A_343] {strides = array<i32>} : memref<2x16x512xf32, #tpu.memory_space<vmem>>, vector<16xf32>,
        %get3A_345 = arith.index_cast %rem3A_59 : i32 to index
        %get3A_346 = arith.index_cast %scan3A_101 : i32 to index
        %get3A_347 = arith.constant 384 : index
        %get3A_348 = tpu.vector_load %arg10[%get3A_345, %get3A_346, %get3A_347] {strides = array<i32>} : memref<2x16x512xf32, #tpu.memory_space<vmem>>, vector<16xf32>,
        %mul3A_349 = arith.mulf %get3A_344, %get3A_348 : vector<16xf32>
        %add3A_350 = arith.addf %add3A_340, %mul3A_349 : vector<16xf32>
        %get3A_351 = arith.index_cast %rem3A_59 : i32 to index
        %get3A_352 = arith.index_cast %scan3A_101 : i32 to index
        %get3A_353 = arith.constant 400 : index
        %get3A_354 = tpu.vector_load %arg9[%get3A_351, %get3A_352, %get3A_353] {strides = array<i32>} : memref<2x16x512xf32, #tpu.memory_space<vmem>>, vector<16xf32>,
        %get3A_355 = arith.index_cast %rem3A_59 : i32 to index
        %get3A_356 = arith.index_cast %scan3A_101 : i32 to index
        %get3A_357 = arith.constant 400 : index
        %get3A_358 = tpu.vector_load %arg10[%get3A_355, %get3A_356, %get3A_357] {strides = array<i32>} : memref<2x16x512xf32, #tpu.memory_space<vmem>>, vector<16xf32>,
        %mul3A_359 = arith.mulf %get3A_354, %get3A_358 : vector<16xf32>
        %add3A_360 = arith.addf %add3A_350, %mul3A_359 : vector<16xf32>
        %get3A_361 = arith.index_cast %rem3A_59 : i32 to index
        %get3A_362 = arith.index_cast %scan3A_101 : i32 to index
        %get3A_363 = arith.constant 416 : index
        %get3A_364 = tpu.vector_load %arg9[%get3A_361, %get3A_362, %get3A_363] {strides = array<i32>} : memref<2x16x512xf32, #tpu.memory_space<vmem>>, vector<16xf32>,
        %get3A_365 = arith.index_cast %rem3A_59 : i32 to index
        %get3A_366 = arith.index_cast %scan3A_101 : i32 to index
        %get3A_367 = arith.constant 416 : index
        %get3A_368 = tpu.vector_load %arg10[%get3A_365, %get3A_366, %get3A_367] {strides = array<i32>} : memref<2x16x512xf32, #tpu.memory_space<vmem>>, vector<16xf32>,
        %mul3A_369 = arith.mulf %get3A_364, %get3A_368 : vector<16xf32>
        %add3A_370 = arith.addf %add3A_360, %mul3A_369 : vector<16xf32>
        %get3A_371 = arith.index_cast %rem3A_59 : i32 to index
        %get3A_372 = arith.index_cast %scan3A_101 : i32 to index
        %get3A_373 = arith.constant 432 : index
        %get3A_374 = tpu.vector_load %arg9[%get3A_371, %get3A_372, %get3A_373] {strides = array<i32>} : memref<2x16x512xf32, #tpu.memory_space<vmem>>, vector<16xf32>,
        %get3A_375 = arith.index_cast %rem3A_59 : i32 to index
        %get3A_376 = arith.index_cast %scan3A_101 : i32 to index
        %get3A_377 = arith.constant 432 : index
        %get3A_378 = tpu.vector_load %arg10[%get3A_375, %get3A_376, %get3A_377] {strides = array<i32>} : memref<2x16x512xf32, #tpu.memory_space<vmem>>, vector<16xf32>,
        %mul3A_379 = arith.mulf %get3A_374, %get3A_378 : vector<16xf32>
        %add3A_380 = arith.addf %add3A_370, %mul3A_379 : vector<16xf32>
        %get3A_381 = arith.index_cast %rem3A_59 : i32 to index
        %get3A_382 = arith.index_cast %scan3A_101 : i32 to index
        %get3A_383 = arith.constant 448 : index
        %get3A_384 = tpu.vector_load %arg9[%get3A_381, %get3A_382, %get3A_383] {strides = array<i32>} : memref<2x16x512xf32, #tpu.memory_space<vmem>>, vector<16xf32>,
        %get3A_385 = arith.index_cast %rem3A_59 : i32 to index
        %get3A_386 = arith.index_cast %scan3A_101 : i32 to index
        %get3A_387 = arith.constant 448 : index
        %get3A_388 = tpu.vector_load %arg10[%get3A_385, %get3A_386, %get3A_387] {strides = array<i32>} : memref<2x16x512xf32, #tpu.memory_space<vmem>>, vector<16xf32>,
        %mul3A_389 = arith.mulf %get3A_384, %get3A_388 : vector<16xf32>
        %add3A_390 = arith.addf %add3A_380, %mul3A_389 : vector<16xf32>
        %get3A_391 = arith.index_cast %rem3A_59 : i32 to index
        %get3A_392 = arith.index_cast %scan3A_101 : i32 to index
        %get3A_393 = arith.constant 464 : index
        %get3A_394 = tpu.vector_load %arg9[%get3A_391, %get3A_392, %get3A_393] {strides = array<i32>} : memref<2x16x512xf32, #tpu.memory_space<vmem>>, vector<16xf32>,
        %get3A_395 = arith.index_cast %rem3A_59 : i32 to index
        %get3A_396 = arith.index_cast %scan3A_101 : i32 to index
        %get3A_397 = arith.constant 464 : index
        %get3A_398 = tpu.vector_load %arg10[%get3A_395, %get3A_396, %get3A_397] {strides = array<i32>} : memref<2x16x512xf32, #tpu.memory_space<vmem>>, vector<16xf32>,
        %mul3A_399 = arith.mulf %get3A_394, %get3A_398 : vector<16xf32>
        %add3A_400 = arith.addf %add3A_390, %mul3A_399 : vector<16xf32>
        %get3A_401 = arith.index_cast %rem3A_59 : i32 to index
        %get3A_402 = arith.index_cast %scan3A_101 : i32 to index
        %get3A_403 = arith.constant 480 : index
        %get3A_404 = tpu.vector_load %arg9[%get3A_401, %get3A_402, %get3A_403] {strides = array<i32>} : memref<2x16x512xf32, #tpu.memory_space<vmem>>, vector<16xf32>,
        %get3A_405 = arith.index_cast %rem3A_59 : i32 to index
        %get3A_406 = arith.index_cast %scan3A_101 : i32 to index
        %get3A_407 = arith.constant 480 : index
        %get3A_408 = tpu.vector_load %arg10[%get3A_405, %get3A_406, %get3A_407] {strides = array<i32>} : memref<2x16x512xf32, #tpu.memory_space<vmem>>, vector<16xf32>,
        %mul3A_409 = arith.mulf %get3A_404, %get3A_408 : vector<16xf32>
        %add3A_410 = arith.addf %add3A_400, %mul3A_409 : vector<16xf32>
        %get3A_411 = arith.index_cast %rem3A_59 : i32 to index
        %get3A_412 = arith.index_cast %scan3A_101 : i32 to index
        %get3A_413 = arith.constant 496 : index
        %get3A_414 = tpu.vector_load %arg9[%get3A_411, %get3A_412, %get3A_413] {strides = array<i32>} : memref<2x16x512xf32, #tpu.memory_space<vmem>>, vector<16xf32>,
        %get3A_415 = arith.index_cast %rem3A_59 : i32 to index
        %get3A_416 = arith.index_cast %scan3A_101 : i32 to index
        %get3A_417 = arith.constant 496 : index
        %get3A_418 = tpu.vector_load %arg10[%get3A_415, %get3A_416, %get3A_417] {strides = array<i32>} : memref<2x16x512xf32, #tpu.memory_space<vmem>>, vector<16xf32>,
        %mul3A_419 = arith.mulf %get3A_414, %get3A_418 : vector<16xf32>
        %add3A_420 = arith.addf %add3A_410, %mul3A_419 : vector<16xf32>
        %reduce_sum3A = arith.constant true
        %reduce_sum3A_421 = vector.broadcast %reduce_sum3A : i1 to vector<16xi1>
        %reduce_sum3A_422 = tpu.scan <sum>, %add3A_420 masked %reduce_sum3A_421 : vector<16xf32>, vector<16xi1> -> vector<16xf32>
        %reduce_sum3A_423 = vector.extract %reduce_sum3A_422[15] : f32 from vector<16xf32>
        %eq3A = vector.broadcast %scan3A_101 : i32 to vector<16xi32>
        %eq3A_424 = arith.cmpi eq, %iota3A, %eq3A : vector<16xi32>
        %broadcast_in_dim3A_425 = vector.broadcast %reduce_sum3A_423 : f32 to vector<16xf32>
        %select_n3A_426 = arith.select %eq3A_424, %broadcast_in_dim3A_425, %scan3A_102 : vector<16xi1>, vector<16xf32>
        scf.yield %select_n3A_426 : vector<16xf32>
      }
      %scan3A_92 = arith.constant 16 : i32
      %neg3A = arith.constant 0.000000e+00 : f32
      %neg3A_93 = vector.broadcast %neg3A : f32 to vector<16xf32>
      %neg3A_94 = arith.subf %neg3A_93, %scan3A_91 : vector<16xf32>
      %exp3A = math.exp %neg3A_94 : vector<16xf32>
      %add3A_95 = arith.constant 1.000000e+00 : f32
      %add3A_96 = vector.broadcast %add3A_95 : f32 to vector<16xf32>
      %add3A_97 = arith.addf %add3A_96, %exp3A : vector<16xf32>
      %div3A = arith.constant 1.000000e+00 : f32
      %div3A_98 = vector.broadcast %div3A : f32 to vector<16xf32>
      %div3A_99 = arith.divf %div3A_98, %add3A_97 : vector<16xf32>
      %swap3A = arith.index_cast %mul3A_61 : i32 to index
      %swap3A_100 = tpu.vector_load %arg8[%swap3A] {strides = array<i32>} : memref<5008xf32, #tpu.memory_space<vmem>>, vector<16xf32>,
      tpu.vector_store %arg8[%swap3A], %div3A_99 {strides = array<i32>} : memref<5008xf32, #tpu.memory_space<vmem>>, vector<16xf32>,
    }
    %convert_element_type3A_50 = arith.extui %lt3A_1 : i1 to i32
    %cond3A_51 = arith.constant 0 : i32
    %cond3A_52 = arith.cmpi ne, %convert_element_type3A_50, %cond3A_51 : i32
    scf.if %cond3A_52 {
      "tpu.region"() ({
        %run_scoped3A = tpu.sem_alloc : memref<!tpu.dma_semaphore, #tpu.memory_space<semaphore_mem>>
        %dma_start3A_58 = tpu.memref_slice %arg5[%select_n3A_10] : memref<160000xf32, #tpu.memory_space<hbm>> -> memref<5008xf32, #tpu.memory_space<hbm>>
        %dma_start3A_59 = tpu.memref_slice %arg5[%select_n3A_10] : memref<160000xf32, #tpu.memory_space<hbm>> -> memref<5008xf32, #tpu.memory_space<hbm>>
        tpu.enqueue_dma source(%arg8 : memref<5008xf32, #tpu.memory_space<vmem>>) target(%dma_start3A_59 : memref<5008xf32, #tpu.memory_space<hbm>>) target_semaphore(%run_scoped3A : memref<!tpu.dma_semaphore, #tpu.memory_space<semaphore_mem>>)
        %dma_wait3A = tpu.memref_slice %arg5[%select_n3A_10] : memref<160000xf32, #tpu.memory_space<hbm>> -> memref<5008xf32, #tpu.memory_space<hbm>>
        %dma_wait3A_60 = tpu.memref_slice %arg5[%select_n3A_10] : memref<160000xf32, #tpu.memory_space<hbm>> -> memref<5008xf32, #tpu.memory_space<hbm>>
        tpu.wait_dma2 semaphore(%run_scoped3A : memref<!tpu.dma_semaphore, #tpu.memory_space<semaphore_mem>>) src(%arg8 : memref<5008xf32, #tpu.memory_space<vmem>>) dst(%dma_wait3A_60 : memref<5008xf32, #tpu.memory_space<hbm>>)
        tpu.yield
      }) : () -> ()
    } else {
    }
    %not3A_53 = arith.constant true
    %not3A_54 = arith.xori %lt3A_1, %not3A_53 : i1
    %convert_element_type3A_55 = arith.extui %not3A_54 : i1 to i32
    %cond3A_56 = arith.constant 0 : i32
    %cond3A_57 = arith.cmpi ne, %convert_element_type3A_55, %cond3A_56 : i32
    scf.if %cond3A_57 {
      "tpu.region"() ({
        %run_scoped3A = tpu.sem_alloc : memref<!tpu.dma_semaphore, #tpu.memory_space<semaphore_mem>>
        %dma_start3A_58 = arith.constant 0 : i32
        %dma_start3A_59 = tpu.memref_slice %arg8[%dma_start3A_58] : memref<5008xf32, #tpu.memory_space<vmem>> -> memref<4992xf32, #tpu.memory_space<vmem>>
        %dma_start3A_60 = tpu.memref_slice %arg5[%select_n3A_10] : memref<160000xf32, #tpu.memory_space<hbm>> -> memref<4992xf32, #tpu.memory_space<hbm>>
        %dma_start3A_61 = tpu.memref_slice %arg5[%select_n3A_10] : memref<160000xf32, #tpu.memory_space<hbm>> -> memref<4992xf32, #tpu.memory_space<hbm>>
        %dma_start3A_62 = arith.constant 0 : i32
        %dma_start3A_63 = tpu.memref_slice %arg8[%dma_start3A_62] : memref<5008xf32, #tpu.memory_space<vmem>> -> memref<4992xf32, #tpu.memory_space<vmem>>
        tpu.enqueue_dma source(%dma_start3A_63 : memref<4992xf32, #tpu.memory_space<vmem>>) target(%dma_start3A_61 : memref<4992xf32, #tpu.memory_space<hbm>>) target_semaphore(%run_scoped3A : memref<!tpu.dma_semaphore, #tpu.memory_space<semaphore_mem>>)
        %dma_wait3A = arith.constant 0 : i32
        %dma_wait3A_64 = tpu.memref_slice %arg8[%dma_wait3A] : memref<5008xf32, #tpu.memory_space<vmem>> -> memref<4992xf32, #tpu.memory_space<vmem>>
        %dma_wait3A_65 = tpu.memref_slice %arg5[%select_n3A_10] : memref<160000xf32, #tpu.memory_space<hbm>> -> memref<4992xf32, #tpu.memory_space<hbm>>
        %dma_wait3A_66 = tpu.memref_slice %arg5[%select_n3A_10] : memref<160000xf32, #tpu.memory_space<hbm>> -> memref<4992xf32, #tpu.memory_space<hbm>>
        %dma_wait3A_67 = arith.constant 0 : i32
        %dma_wait3A_68 = tpu.memref_slice %arg8[%dma_wait3A_67] : memref<5008xf32, #tpu.memory_space<vmem>> -> memref<4992xf32, #tpu.memory_space<vmem>>
        tpu.wait_dma2 semaphore(%run_scoped3A : memref<!tpu.dma_semaphore, #tpu.memory_space<semaphore_mem>>) src(%dma_wait3A_68 : memref<4992xf32, #tpu.memory_space<vmem>>) dst(%dma_wait3A_66 : memref<4992xf32, #tpu.memory_space<hbm>>)
        tpu.yield
      }) : () -> ()
    } else {
    }
    return
  }
}

</mosaic_0001>

<sc_bundles>
// kernel: kernel.3.cloned.1.call-start
scs
__scs_entry_jumppad:
0x0: {  	(pc) =	sbr.rel $0x88, $3  }
0x1: {  	(tag) =	ssettag $0x0;
	lr =	simm.s32 $0x1  }
0x2: {  	[smem:$0x3F9F] =	sst lr;
	_ =	strace $0xD0000000  }
0x3: {  	_ = 	snop  }
0x4: {  	_ = 	snop  }
0x5: {  	_ = 	snop  }
0x6: {  	_ = 	snop  }
0x7: {  	_ = 	snop  }
__scs_overlays_trampoline_lowered:
0x8: {  	[smem:$0x3FAE] =	sst s0  }
0x9: {  	[smem:$0x3FAF] =	sst s1  }
0xa: {  	[smem:$0x3FB0] =	sst s2  }
0xb: {  	[smem:$0x3FB1] =	sst s3  }
0xc: {  	[smem:$0x3FB2] =	sst s4  }
0xd: {  	[smem:$0x3FB3] =	sst s5  }
0xe: {  	[smem:$0x3FB4] =	sst s6  }
0xf: {  	[smem:$0x3FB5] =	sst s7  }
0x10: {  	[smem:$0x3FB6] =	sst s8  }
0x11: {  	[smem:$0x3FB7] =	sst s9;
	s0 =	simm.s32 @!p0 $0x0  }
0x12: {  	s1 =	sld [smem:$0x3F9D];
	s0 =	simm.s32 @p0 $0x1  }
0x13: {  	[smem:$0x3FB8] =	sst s0;
	s0 =	simm.s32 @!p1 $0x0  }
0x14: {  	s2 =	sld [smem:$0x3F9C];
	s0 =	simm.s32 @p1 $0x1  }
0x15: {  	[smem:$0x3FB9] =	sst s0;
	s0 =	simm.s32 @!p2 $0x0  }
0x16: {  	s3 =	sld [smem:$0x3FDB];
	s0 =	simm.s32 @p2 $0x1  }
0x17: {  	s4 =	simm.s32 $0x1BF5;
	[smem:$0x3FBB] =	sst s0  }
0x18: {  	s0 =	sld [smem:$0x3F9E];
	_ =	swait.ge [sflag:s4], $0x0  }
0x19: {  	s7 =	sld [smem:$0x3F9F]  }
0x1a: {  	s8 =	sadd.s32 $0xFFFFE003, lr  }
0x1b: {  	s9 =	sadd.s32 $0xFFFFFEF7, lr;
	s5 =	simm.s32 $0xFFFFFFFF;
	p2 =	slt.u32 s8, $0xFFFFF086  }
0x1c: {  	p1 =	slt.u32 s9, $0xF7A;
	s5 =	simm.s32 @!p2 $0x0  }
0x1d: {  	s5 =	simm.s32 @p1 $0x1;
	p0 =	seq.s32 s7, s2  }
0x1e: {  	s7 =	smul.u32 @!p0 $0xF7A, s2;
	p2 =	seq.s32 @!p0 s5, $0x0  }
0x1f: {  	s9 =	smul.u32 $0xF7A, s1;
	s8 =	simm.s32 @!p0 $0x1BF5;
	p2 =	por !p2, p0  }
0x20: {  	[sflag:s8] =	ssyncset.s32 @!p0 $0xFFFFF086;
	s6 =	sadd.s32 @!p0 s3, s7;
	s7 =	simm.s32 @!p0 $0x108  }
0x21: {  	s3 =	sadd.s32 s3, s9;
	s6 =	sadd.s32 @!p0 $0x88, s6;
	s7 =	simm.s32 @p2 $0x1082  }
0x22: {  	[simem:s7], [sflag:s8] =	dma.local @!p0 [hbm:s6], $0xF7A  }
0x23: {  	s9 =	sor.u32 $0xD0000000, s2;
	s6 =	simm.s32 $0x108;
	_ =	swait.ge @!p0 [sflag:s8], $0x0  }
0x24: {  	s3 =	sadd.s32 $0x88, s3;
	s6 =	simm.s32 @!p1 $0x1082;
	[sflag:s4] =	ssyncset.s32 $0xFFFFF086  }
0x25: {  	[simem:s6], [sflag:s4] =	dma.local [hbm:s3], $0xF7A  }
0x26: {  	[smem:$0x3F9F] =	sst s1;
	(tag) =	ssettag s2;
	_ =	strace s9  }
0x27: {  	s1 =	sld [smem:$0x3FAF]  }
0x28: {  	s2 =	sld [smem:$0x3FB0]  }
0x29: {  	s4 =	sld [smem:$0x3FB2]  }
0x2a: {  	p0 =	seq.s32 s5, $0x0;
	s5 =	sld [smem:$0x3FB3]  }
0x2b: {  	s6 =	sld [smem:$0x3FB4]  }
0x2c: {  	s7 =	sld [smem:$0x3FB5]  }
0x2d: {  	s3 =	simm.s32 $0x108;
	s8 =	sld [smem:$0x3FB6]  }
0x2e: {  	s3 =	simm.s32 @!p0 $0x1082;
	s9 =	sld [smem:$0x3FB7]  }
0x2f: {  	lr =	sadd.s32 s0, s3;
	s0 =	sld [smem:$0x3FAE]  }
0x30: {  	s3 =	sld [smem:$0x3FB1]  }
0x31: {  	[smem:$0x3FBA] =	sst s10  }
0x32: {  	s10 =	sld [smem:$0x3FB8];
	_ =	sdelay $0x3  }
0x33: {  	p0 =	seq.s32 s10, $0x1;
	s10 =	sld [smem:$0x3FBA];
	_ =	sdelay $0x3  }
0x34: {  	[smem:$0x3FBA] =	sst s10  }
0x35: {  	s10 =	sld [smem:$0x3FB9];
	_ =	sdelay $0x3  }
0x36: {  	p1 =	seq.s32 s10, $0x1;
	s10 =	sld [smem:$0x3FBA];
	_ =	sdelay $0x3  }
0x37: {  	[smem:$0x3FBA] =	sst s10  }
0x38: {  	s10 =	sld [smem:$0x3FBB]  }
0x39: {  	_ = 	snop;
	(pc) =	sbr.ind lr, $3  }
0x3a: {  	_ = 	snop  }
0x3b: {  	_ = 	snop  }
0x3c: {  	p2 =	seq.s32 s10, $0x1;
	s10 =	sld [smem:$0x3FBA]  }
0x3d: {  	_ =	shalt  }
0x3e: {  	_ =	shalt  }
0x3f: {  	_ =	shalt  }
0x40: {  	_ =	shalt  }
0x41: {  	_ =	shalt  }
0x42: {  	_ =	shalt  }
0x43: {  	_ =	shalt  }
0x44: {  	_ =	shalt  }
0x45: {  	_ =	shalt  }
0x46: {  	_ =	shalt  }
0x47: {  	_ =	shalt  }
0x48: {  	_ =	shalt  }
0x49: {  	_ =	shalt  }
0x4a: {  	_ =	shalt  }
0x4b: {  	_ =	shalt  }
0x4c: {  	_ =	shalt  }
0x4d: {  	_ =	shalt  }
0x4e: {  	_ =	shalt  }
0x4f: {  	_ =	shalt  }
0x50: {  	_ =	shalt  }
0x51: {  	_ =	shalt  }
0x52: {  	_ =	shalt  }
0x53: {  	_ =	shalt  }
0x54: {  	_ =	shalt  }
0x55: {  	_ =	shalt  }
0x56: {  	_ =	shalt  }
0x57: {  	_ =	shalt  }
0x58: {  	_ =	shalt  }
0x59: {  	_ =	shalt  }
0x5a: {  	_ =	shalt  }
0x5b: {  	_ =	shalt  }
0x5c: {  	_ =	shalt  }
0x5d: {  	_ =	shalt  }
0x5e: {  	_ =	shalt  }
0x5f: {  	_ =	shalt  }
0x60: {  	_ =	shalt  }
0x61: {  	_ =	shalt  }
0x62: {  	_ =	shalt  }
0x63: {  	_ =	shalt  }
0x64: {  	_ =	shalt  }
0x65: {  	_ =	shalt  }
0x66: {  	_ =	shalt  }
0x67: {  	_ =	shalt  }
0x68: {  	_ =	shalt  }
0x69: {  	_ =	shalt  }
0x6a: {  	_ =	shalt  }
0x6b: {  	_ =	shalt  }
0x6c: {  	_ =	shalt  }
0x6d: {  	_ =	shalt  }
0x6e: {  	_ =	shalt  }
0x6f: {  	_ =	shalt  }
0x70: {  	_ =	shalt  }
0x71: {  	_ =	shalt  }
0x72: {  	_ =	shalt  }
0x73: {  	_ =	shalt  }
0x74: {  	_ =	shalt  }
0x75: {  	_ =	shalt  }
0x76: {  	_ =	shalt  }
0x77: {  	_ =	shalt  }
0x78: {  	_ =	shalt  }
0x79: {  	_ =	shalt  }
0x7a: {  	_ =	shalt  }
0x7b: {  	_ =	shalt  }
0x7c: {  	_ =	shalt  }
0x7d: {  	_ =	shalt  }
0x7e: {  	_ =	shalt  }
0x7f: {  	_ =	shalt  }
0x80: {  	_ =	shalt  }
0x81: {  	_ =	shalt  }
0x82: {  	_ =	shalt  }
0x83: {  	_ =	shalt  }
0x84: {  	_ =	shalt  }
0x85: {  	_ =	shalt  }
0x86: {  	_ =	shalt  }
0x87: {  	_ =	shalt  }
.Lfunc_end0:
.L_simem_size_0:
called_computation_lowered:
.L_overlay_start_0:
0x88: {  	s2 =	sld [smem:$0x3FD9]  }
0x89: {  	s3 =	sld [smem:$0x3FFE];
	_ =	sdelay $0x1  }
0x8a: {  	s1 =	srdreg.scid  }
0x8b: {  	s0 =	sand.u32 $0x1, s1  }
0x8c: {  	s17 =	sshll.u32 s0, $0xA;
	s2 =	sadd.s32 s3, s2  }
0x8d: {  	s2 =	sadd.s32 s2, s17  }
0x8e: {  	[smem:$0x3FC6] =	sst s2  }
0x8f: {  	_ = 	snop  }
0x90: {  	s2 =	sld [smem:$0x3FC9]  }
0x91: {  	s18 =	sld [smem:$0x3FD0];
	(tm) =	ssettm $0x1  }
0x92: {  	s4 =	sld [smem:$0x3FFB];
	_ =	sdelay $0x3  }
0x93: {  	_ =	strace s4  }
0x94: {  	s4 =	sld [smem:$0x3FFC];
	_ =	sdelay $0x3  }
0x95: {  	_ =	strace s4  }
0x96: {  	s4 =	sld [smem:$0x3FFD];
	_ =	sdelay $0x3  }
0x97: {  	_ =	strace s4  }
0x98: {  	_ =	strace $0x8FFFFFFF  }
0x99: {  	s19 =	sld [smem:$0x3FDB];
	_ =	sdelay $0x1  }
0x9a: {  	s5 =	simm.s32 $_scs_section_size  }
0x9b: {  	s6 =	simm.s32 $_size__tile_overlayer_lowered;
	s7 =	simm.s32 $_tile_overlayer_lowered  }
0x9c: {  	s22 =	simm.s32 $0x1BFF;
	s21 =	sshll.u32 s7, $0x1;
	s4 =	sadd.s32 s5, s19  }
0x9d: {  	s8 =	simm.s32 $0x0;
	s20 =	sshll.u32 s6, $0x1;
	s6 =	sadd.s32 s21, s4  }
0x9e: {  	[timem:s8], [sflag:s22] =	dma.local [hbm:s6], s20  }
0x9f: {  	_ =	swait.ge [sflag:s22], s20  }
0xa0: {  	s5 =	ssub.s32 $0x0, s20;
	[sflag:s22] =	ssyncset.done $0x0  }
0xa1: {  	[sflag:s22] =	ssyncadd.s32 s5;
	_ =	sdelay $0x1  }
0xa2: {  	s23 =	simm.s32 $0x1B8B  }
0xa3: {  	_ =	swait.ge [sflag:s23], $0x1  }
0xa4: {  	[sflag:s23] =	ssyncset.done $0x0  }
0xa5: {  	s25 =	simm.s32 $0x1B8E;
	s24 =	sld [smem:$0x3FFE];
	[sflag:s23] =	ssyncadd.s32 $0xFFFFFFFF  }
0xa6: {  	s26 =	simm.s32 $execute0_lowered;
	[smem:$0x3FD2] =	sst s25  }
0xa7: {  	s6 =	sshll.u32 s26, $0x1;
	_ =	strace $0x80000046;
	[dreg:$0x1] =	wrdreg $0xFFFFFFFF  }
0xa8: {  	s28 =	simm.s32 $_size_execute0_lowered;
	s4 =	sadd.s32 s4, s6;
	[dreg:$0x0] =	wrdreg $0x0  }
0xa9: {  	s6 =	sshll.u32 s28, $0x1;
	[dreg:$0x2] =	wrdreg s4  }
0xaa: {  	[dreg:$0x3] =	wrdreg s6  }
0xab: {  	[dreg:$0x4] =	wrdreg $0xC0  }
0xac: {  	_ =	task [dreg:s8], $0x5FFFF  }
0xad: {  	[dreg:$0x1] =	wrdreg $0xFFFFFFFF  }
0xae: {  	[dreg:$0x0] =	wrdreg $0x60  }
0xaf: {  	[dreg:$0x2] =	wrdreg s2  }
0xb0: {  	[dreg:$0x3] =	wrdreg s24  }
0xb1: {  	[dreg:$0x4] =	wrdreg s18  }
0xb2: {  	[dreg:$0x5] =	wrdreg $0x9  }
0xb3: {  	_ =	task.clear_ibuf [dreg:s8], $0x6FFFF;
	_ =	strace $0x90000046  }
0xb4: {  	s29 =	simm.s32 $0x9;
	_ =	strace $0x80000048  }
0xb5: {  	_ =	swait.ge [sflag:s29], $0x1  }
0xb6: {  	[sflag:s29] =	ssyncadd.s32 $0xFFFFFFFF  }
0xb7: {  	_ =	strace $0x90000048  }
0xb8: {  	_ =	sfence  }
0xb9: {  	s30 =	sld [smem:$0x0];
	_ =	sdelay $0x2  }
0xba: {  	s31 =	sshll.u32 s1, $0xD;
	s1 =	sshrl.u32 s1, $0x2  }
0xbb: {  	s3 =	sand.u32 $0x4000, s31;
	s1 =	sadd.s32 s1, s30  }
0xbc: {  	s0 =	sor.u32 s3, s0;
	s1 =	sshll.u32 s1, $0x11  }
0xbd: {  	s0 =	sor.u32 s1, s0  }
0xbe: {  	s0 =	sadd.s32 $0x8F2B, s0  }
0xbf: {  	[sflag:s0] =	ssyncadd.remote.s32 $0x1  }
0xc0: {  	_ =	sfence.sel $0xFFFF  }
0xc1: {  	[dreg:$0x0] =	wrdreg $0xFFFFFFFF;
	(pc) =	sbr.abs _section_cstart, $3  }
0xc2: {  	[dreg:$0x1] =	wrdreg $0xFFFFFFFF  }
0xc3: {  	_ =	task.clear_ibuf [dreg:s8], $0x2FFFF;
	_ =	strace $0x9FFFFFFF  }
0xc4: {  	(tm) =	ssettm $0x7FFFFFFF  }
0xc5: {  	_ =	shalt  }
tec
execute0_lowered:
.L_overlay_start_1:
0x0: {  	(tag) =	ssettag $0x1  }
0x1: {  	s1 =	rddreg [dreg:$0x0]  }
0x2: {  	s8 =	rddreg [dreg:$0x1];
	s2 =	srdreg.scid  }
0x3: {  	s0 =	stileid.u32;
	s11 =	rddreg [dreg:$0x2];
	s3 =	simm.s32 $0x0  }
0x4: {  	s15 =	simm.s32 $0x4C00;
	s16 =	simm.s32 $0x5400;
	s17 =	simm.s32 $0x7C00  }
0x5: {  	s18 =	simm.s32 $0x8400;
	s4 =	sand.u32 $0x1, s2;
	s5 =	sshll.u32 s0, $0x1  }
0x6: {  	s19 =	simm.s32 $0x8C00;
	s20 =	simm.s32 $0x9400;
	s5 =	sor.u32 s4, s5  }
0x7: {  	s21 =	simm.s32 $0x0;
	[smem:$0x7FF] =	sst s3;
	s10 =	smul.u32 $0x1390, s5  }
0x8: {  	s7 =	sadd.s32 $0x5000, s8;
	s4 =	ssub.s32 $0x2, s4;
	s5 =	smul.u32 $0x1380, s5  }
0x9: {  	p0 =	sgt.u32 s0, $0x7;
	_ =	strace $0x80000047;
	s6 =	sshrl.u32 s4, $0x1  }
0xa: {  	s12 =	ssub.s32 s4, s6;
	s4 =	simm.s32 $0x138;
	s5 =	sadd.s32 $0x100, s5  }
0xb: {  	s13 =	sshrl.u32 s10, $0x3;
	s4 =	simm.s32 @!p0 $0x139;
	s12 =	smax.u32 s12, $0x1  }
0xc: {  	s10 =	smov.u32 @p0 s5;
	s9 =	sshrl.u32 s5, $0x3;
	s5 =	sadd.s32 s7, s13  }
0xd: {  	v0 =	vlaneseq.u32;
	s6 =	sadd.s32 s8, s13;
	s7 =	sadd.s32 s7, s9;
	s8 =	sadd.s32 s8, s9  }
0xe: {  	vm0 =	vmmov $0xffff;
	v2 =	vshrl.u32 v0, $0x3;
	s9 =	sadd.s32 $0x100, s1;
	s14 =	sshrl.u32 s10, $0x3;
	s10 =	sadd.s32 s11, s13  }
0xf: {  	v1 =	vand.u32 $0x7, v0;
	v3 =	vor.u32 $0x8, v0;
	v2 =	vmul.u32 $0x8, v2;
	s13 =	simm.s32 $0x3C00;
	s11 =	sadd.s32 s11, s14;
	s14 =	simm.s32 $0x4400  }
.LBB2_1:
0x10: {  	s22 =	simm.s32 @p0 $0x0;
	s23 =	simm.s32 @p0 $0x5  }
0x11: {  	[tilespmem:s22], [sflag:$0x5] =	stream.linear.gather @p0 [hbm4b:s7+s22], $0x1380, $0x38;
	[tilespmem:$0xBC00] =	vst v63  }
0x12: {  	_ =	swait.ge @p0 [sflag:s23], $0x1380  }
0x13: {  	[sflag:s23] =	ssyncset.done @p0 $0x0  }
0x14: {  	s24 =	simm.s32 @p0 $0x1400;
	[sflag:s23] =	ssyncadd.s32 @p0 $0xFFFFEC80  }
0x15: {  	[tilespmem:s24], [sflag:$0x5] =	stream.linear.gather @p0 [hbm4b:s8+s22], $0x1380, $0x38;
	[tilespmem:$0xBC00] =	vst v63  }
0x16: {  	_ =	swait.ge @p0 [sflag:s23], $0x1380  }
0x17: {  	[sflag:s23] =	ssyncset.done @p0 $0x0  }
0x18: {  	s22 =	simm.s32 @!p0 $0x0;
	[sflag:s23] =	ssyncadd.s32 @p0 $0xFFFFEC80;
	s23 =	simm.s32 @!p0 $0x5  }
0x19: {  	[tilespmem:s22], [sflag:$0x5] =	stream.linear.gather @!p0 [hbm4b:s5+s22], $0x1390, $0x38;
	[tilespmem:$0xBC00] =	vst v63  }
0x1a: {  	_ =	swait.ge @!p0 [sflag:s23], $0x1390  }
0x1b: {  	[sflag:s23] =	ssyncset.done @!p0 $0x0  }
0x1c: {  	s24 =	simm.s32 @!p0 $0x1400;
	[sflag:s23] =	ssyncadd.s32 @!p0 $0xFFFFEC70  }
0x1d: {  	[tilespmem:s24], [sflag:$0x5] =	stream.linear.gather @!p0 [hbm4b:s6+s22], $0x1390, $0x38;
	[tilespmem:$0xBC00] =	vst v63  }
0x1e: {  	_ =	swait.ge @!p0 [sflag:s23], $0x1390  }
0x1f: {  	[sflag:s23] =	ssyncset.done @!p0 $0x0  }
0x20: {  	[sflag:s23] =	ssyncadd.s32 @!p0 $0xFFFFEC70  }
0x21: {  	v4 =	vld [tilespmem:$0x0];
	_ =	sdelay $0x4  }
0x22: {  	v5 =	vshll.u32 v4, $0x2  }
0x23: {  	v4 =	vand.u32 $0x7, v4;
	v5 =	vand.u32 $0xFFFFFFE0, v5  }
0x24: {  	v4 =	vor.u32 v4, v5  }
0x25: {  	v5 =	vperm.xlane v4, v1;
	_ =	sdelay $0x1  }
0x26: {  	v5 =	vadd.s32 v2, v5;
	_ =	sdelay $0x1  }
0x27: {  	v4 =	vperm.xlane v4, v3;
	_ =	sdelay $0x1  }
0x28: {  	v4 =	vadd.s32 v2, v4  }
0x29: {  	[tilespmem:s13], [sflag:$0x1] =	stream.indirect_vreg.gather [hbm4b:s1+s3], $0x80, v5, vm0, $0xb8;
	[tilespmem:$0xBC00] =	vst v63  }
0x2a: {  	_ = 	snop  }
0x2b: {  	[tilespmem:s14], [sflag:$0x1] =	stream.indirect_vreg.gather [hbm4b:s9+s3], $0x80, v5, vm0, $0xb8;
	[tilespmem:$0xBC00] =	vst v63  }
0x2c: {  	_ = 	snop  }
0x2d: {  	[tilespmem:s15], [sflag:$0x1] =	stream.indirect_vreg.gather [hbm4b:s1+s3], $0x80, v4, vm0, $0xb8;
	[tilespmem:$0xBC00] =	vst v63  }
0x2e: {  	_ = 	snop  }
0x2f: {  	[tilespmem:s16], [sflag:$0x1] =	stream.indirect_vreg.gather [hbm4b:s9+s3], $0x80, v4, vm0, $0xb8;
	[tilespmem:$0xBC00] =	vst v63  }
0x30: {  	v4 =	vld [tilespmem:$0x1400];
	_ =	sdelay $0x4  }
0x31: {  	v5 =	vshll.u32 v4, $0x2  }
0x32: {  	v4 =	vand.u32 $0x7, v4;
	v5 =	vand.u32 $0xFFFFFFE0, v5  }
0x33: {  	v4 =	vor.u32 v4, v5  }
0x34: {  	v5 =	vperm.xlane v4, v1;
	_ =	sdelay $0x1  }
0x35: {  	v5 =	vadd.s32 v2, v5;
	_ =	sdelay $0x1  }
0x36: {  	v4 =	vperm.xlane v4, v3;
	_ =	sdelay $0x1  }
0x37: {  	v4 =	vadd.s32 v2, v4  }
0x38: {  	[tilespmem:s17], [sflag:$0x3] =	stream.indirect_vreg.gather [hbm4b:s1+s3], $0x80, v5, vm0, $0xb8;
	[tilespmem:$0xBC00] =	vst v63  }
0x39: {  	_ = 	snop  }
0x3a: {  	[tilespmem:s18], [sflag:$0x3] =	stream.indirect_vreg.gather [hbm4b:s9+s3], $0x80, v5, vm0, $0xb8;
	[tilespmem:$0xBC00] =	vst v63  }
0x3b: {  	_ = 	snop  }
0x3c: {  	[tilespmem:s19], [sflag:$0x3] =	stream.indirect_vreg.gather [hbm4b:s1+s3], $0x80, v4, vm0, $0xb8;
	[tilespmem:$0xBC00] =	vst v63  }
0x3d: {  	s23 =	simm.s32 $0x0  }
0x3e: {  	[tilespmem:s20], [sflag:$0x3] =	stream.indirect_vreg.gather [hbm4b:s9+s3], $0x80, v4, vm0, $0xb8;
	[tilespmem:$0xBC00] =	vst v63  }
.LBB2_2:
0x3f: {  	s22 =	sadd.s32 $0x1, s23  }
0x40: {  	p1 =	sge.u32 s22, s4  }
0x41: {  	s24 =	sshll.u32 @!p1 s22, $0x4  }
0x42: {  	v4 =	vld @!p1 [tilespmem:s24+$0x0];
	_ =	sdelay $0x4  }
0x43: {  	v5 =	vshll.u32 @!p1 v4, $0x2  }
0x44: {  	v6 =	vlaneseq.u32 @!p1;
	v4 =	vand.u32 @!p1 $0x7, v4;
	v5 =	vand.u32 @!p1 $0xFFFFFFE0, v5  }
0x45: {  	v7 =	vshrl.u32 @!p1 v6, $0x3;
	v4 =	vor.u32 @!p1 v4, v5;
	v5 =	vand.u32 @!p1 $0x7, v6  }
0x46: {  	v7 =	vmul.u32 @!p1 $0x8, v7;
	v8 =	vperm.xlane @!p1 v4, v5;
	_ =	sdelay $0x1  }
0x47: {  	v8 =	vadd.s32 @!p1 v7, v8  }
0x48: {  	s25 =	sand.u32 $0x1, s23;
	v6 =	vor.u32 @!p1 $0x8, v6  }
0x49: {  	s26 =	sxor.u32 @!p1 $0x1, s25;
	v4 =	vperm.xlane @!p1 v4, v6  }
0x4a: {  	s28 =	sshll.u32 @!p1 s26, $0xD  }
0x4b: {  	vm1 =	vmmov @!p1 $0xffff;
	s31 =	simm.s32 @!p1 $0x0;
	s30 =	sadd.s32 @!p1 $0x1, s26;
	s29 =	sadd.s32 @!p1 $0x3C00, s28;
	v4 =	vadd.s32 @!p1 v7, v4  }
0x4c: {  	[tilespmem:s29], [sflag:s30] =	stream.indirect_vreg.gather @!p1 [hbm4b:s1+s31], $0x80, v8, vm1, $0xb8;
	[tilespmem:$0xBC00] =	vst v63  }
0x4d: {  	s29 =	sor.u32 @!p1 $0x4400, s28  }
0x4e: {  	[tilespmem:s29], [sflag:s30] =	stream.indirect_vreg.gather @!p1 [hbm4b:s9+s31], $0x80, v8, vm1, $0xb8;
	[tilespmem:$0xBC00] =	vst v63  }
0x4f: {  	s29 =	sor.u32 @!p1 $0x4C00, s28  }
0x50: {  	[tilespmem:s29], [sflag:s30] =	stream.indirect_vreg.gather @!p1 [hbm4b:s1+s31], $0x80, v4, vm1, $0xb8;
	[tilespmem:$0xBC00] =	vst v63  }
0x51: {  	s29 =	sor.u32 @!p1 $0x5400, s28  }
0x52: {  	[tilespmem:s29], [sflag:s30] =	stream.indirect_vreg.gather @!p1 [hbm4b:s9+s31], $0x80, v4, vm1, $0xb8;
	[tilespmem:$0xBC00] =	vst v63  }
0x53: {  	v4 =	vld @!p1 [tilespmem:s24+$0x1400];
	_ =	sdelay $0x4  }
0x54: {  	v8 =	vshll.u32 @!p1 v4, $0x2  }
0x55: {  	v4 =	vand.u32 @!p1 $0x7, v4;
	v8 =	vand.u32 @!p1 $0xFFFFFFE0, v8  }
0x56: {  	v4 =	vor.u32 @!p1 v4, v8  }
0x57: {  	v5 =	vperm.xlane @!p1 v4, v5;
	_ =	sdelay $0x1  }
0x58: {  	v5 =	vadd.s32 @!p1 v7, v5;
	_ =	sdelay $0x1  }
0x59: {  	v4 =	vperm.xlane @!p1 v4, v6;
	_ =	sdelay $0x1  }
0x5a: {  	s26 =	sadd.s32 @!p1 $0x3, s26;
	s24 =	sadd.s32 @!p1 $0x7C00, s28;
	v4 =	vadd.s32 @!p1 v7, v4  }
0x5b: {  	[tilespmem:s24], [sflag:s26] =	stream.indirect_vreg.gather @!p1 [hbm4b:s1+s31], $0x80, v5, vm1, $0xb8;
	[tilespmem:$0xBC00] =	vst v63  }
0x5c: {  	s24 =	sor.u32 @!p1 $0x8400, s28  }
0x5d: {  	[tilespmem:s24], [sflag:s26] =	stream.indirect_vreg.gather @!p1 [hbm4b:s9+s31], $0x80, v5, vm1, $0xb8;
	[tilespmem:$0xBC00] =	vst v63  }
0x5e: {  	s24 =	sor.u32 @!p1 $0x8C00, s28  }
0x5f: {  	[tilespmem:s24], [sflag:s26] =	stream.indirect_vreg.gather @!p1 [hbm4b:s1+s31], $0x80, v4, vm1, $0xb8;
	[tilespmem:$0xBC00] =	vst v63  }
0x60: {  	s0 =	sadd.s32 $0x1, s25;
	s24 =	sor.u32 @!p1 $0x9400, s28  }
0x61: {  	[tilespmem:s24], [sflag:s26] =	stream.indirect_vreg.gather @!p1 [hbm4b:s9+s31], $0x80, v4, vm1, $0xb8;
	[tilespmem:$0xBC00] =	vst v63  }
0x62: {  	_ =	swait.ge [sflag:s0], $0x2000  }
0x63: {  	[sflag:s0] =	ssyncset.done $0x0  }
0x64: {  	s28 =	sadd.s32 $0x3, s25;
	s24 =	simm.s32 $0x0;
	[sflag:s0] =	ssyncadd.s32 $0xFFFFE000  }
0x65: {  	s26 =	sshll.u32 s25, $0xD;
	s2 =	sand.u32 $0x1000, s24;
	_ =	swait.ge [sflag:s28], $0x2000  }
0x66: {  	s29 =	sand.u32 $0x380, s24;
	s25 =	sor.u32 s26, s2;
	[sflag:s28] =	ssyncset.done $0x0  }
0x67: {  	s25 =	sor.u32 s29, s25;
	[sflag:s28] =	ssyncadd.s32 $0xFFFFE000  }
0x68: {  	v4 =	vld [tilespmem:s25+$0x3C00]  }
0x69: {  	v5 =	vld [tilespmem:s25+$0x7C00]  }
0x6a: {  	v6 =	vld [tilespmem:s25+$0x3C10]  }
0x6b: {  	v7 =	vld [tilespmem:s25+$0x7C10]  }
0x6c: {  	v8 =	vld [tilespmem:s25+$0x3C20]  }
0x6d: {  	v9 =	vld [tilespmem:s25+$0x7C20]  }
0x6e: {  	v10 =	vld [tilespmem:s25+$0x3C30]  }
0x6f: {  	v11 =	vld [tilespmem:s25+$0x7C30]  }
0x70: {  	v4 =	vmul.f32 v5, v4;
	v5 =	vmul.f32 v7, v6;
	v6 =	vld [tilespmem:s25+$0x3C40]  }
0x71: {  	v7 =	vld [tilespmem:s25+$0x7C40]  }
0x72: {  	v4 =	vadd.f32 v5, v4;
	v5 =	vmul.f32 v9, v8;
	v8 =	vld [tilespmem:s25+$0x3C50]  }
0x73: {  	v9 =	vld [tilespmem:s25+$0x7C50]  }
0x74: {  	v4 =	vadd.f32 v5, v4;
	v5 =	vmul.f32 v11, v10;
	v10 =	vld [tilespmem:s25+$0x3C60]  }
0x75: {  	v11 =	vld [tilespmem:s25+$0x7C60]  }
0x76: {  	v4 =	vadd.f32 v5, v4;
	v5 =	vmul.f32 v7, v6;
	v6 =	vld [tilespmem:s25+$0x3C70]  }
0x77: {  	v7 =	vld [tilespmem:s25+$0x7C70]  }
0x78: {  	v4 =	vadd.f32 v5, v4;
	v5 =	vmul.f32 v9, v8;
	v8 =	vld [tilespmem:s25+$0x4000]  }
0x79: {  	v9 =	vld [tilespmem:s25+$0x8000]  }
0x7a: {  	v4 =	vadd.f32 v5, v4;
	v5 =	vmul.f32 v11, v10;
	v10 =	vld [tilespmem:s25+$0x4010]  }
0x7b: {  	v11 =	vld [tilespmem:s25+$0x8010]  }
0x7c: {  	v4 =	vadd.f32 v5, v4;
	v5 =	vmul.f32 v7, v6;
	v6 =	vld [tilespmem:s25+$0x4020]  }
0x7d: {  	v7 =	vld [tilespmem:s25+$0x8020]  }
0x7e: {  	v4 =	vadd.f32 v5, v4;
	v5 =	vmul.f32 v9, v8;
	v8 =	vld [tilespmem:s25+$0x4030]  }
0x7f: {  	v9 =	vld [tilespmem:s25+$0x8030]  }
0x80: {  	v4 =	vadd.f32 v5, v4;
	v5 =	vmul.f32 v11, v10;
	v10 =	vld [tilespmem:s25+$0x4040]  }
0x81: {  	v11 =	vld [tilespmem:s25+$0x8040]  }
0x82: {  	v4 =	vadd.f32 v5, v4;
	v5 =	vmul.f32 v7, v6;
	v6 =	vld [tilespmem:s25+$0x4050]  }
0x83: {  	v7 =	vld [tilespmem:s25+$0x8050]  }
0x84: {  	v4 =	vadd.f32 v5, v4;
	v5 =	vmul.f32 v9, v8;
	v8 =	vld [tilespmem:s25+$0x4060]  }
0x85: {  	v9 =	vld [tilespmem:s25+$0x8060]  }
0x86: {  	v4 =	vadd.f32 v5, v4;
	v5 =	vmul.f32 v11, v10;
	v10 =	vld [tilespmem:s25+$0x4070]  }
0x87: {  	v11 =	vld [tilespmem:s25+$0x8070]  }
0x88: {  	v4 =	vadd.f32 v5, v4;
	v5 =	vmul.f32 v7, v6;
	v6 =	vld [tilespmem:s25+$0x4400]  }
0x89: {  	v7 =	vld [tilespmem:s25+$0x8400]  }
0x8a: {  	v4 =	vadd.f32 v5, v4;
	v5 =	vmul.f32 v9, v8;
	v8 =	vld [tilespmem:s25+$0x4410]  }
0x8b: {  	v9 =	vld [tilespmem:s25+$0x8410]  }
0x8c: {  	v4 =	vadd.f32 v5, v4;
	v5 =	vmul.f32 v11, v10;
	v10 =	vld [tilespmem:s25+$0x4420]  }
0x8d: {  	v11 =	vld [tilespmem:s25+$0x8420]  }
0x8e: {  	v4 =	vadd.f32 v5, v4;
	v5 =	vmul.f32 v7, v6;
	v6 =	vld [tilespmem:s25+$0x4430]  }
0x8f: {  	v7 =	vld [tilespmem:s25+$0x8430]  }
0x90: {  	v4 =	vadd.f32 v5, v4;
	v5 =	vmul.f32 v9, v8;
	v8 =	vld [tilespmem:s25+$0x4440]  }
0x91: {  	v9 =	vld [tilespmem:s25+$0x8440]  }
0x92: {  	v4 =	vadd.f32 v5, v4;
	v5 =	vmul.f32 v11, v10;
	v10 =	vld [tilespmem:s25+$0x4450]  }
0x93: {  	v11 =	vld [tilespmem:s25+$0x8450]  }
0x94: {  	v4 =	vadd.f32 v5, v4;
	v5 =	vmul.f32 v7, v6;
	v6 =	vld [tilespmem:s25+$0x4460]  }
0x95: {  	v7 =	vld [tilespmem:s25+$0x8460]  }
0x96: {  	v4 =	vadd.f32 v5, v4;
	v5 =	vmul.f32 v9, v8;
	v8 =	vld [tilespmem:s25+$0x4470]  }
0x97: {  	v9 =	vld [tilespmem:s25+$0x8470]  }
0x98: {  	v4 =	vadd.f32 v5, v4;
	v5 =	vmul.f32 v11, v10;
	v10 =	vld [tilespmem:s25+$0x4800]  }
0x99: {  	v11 =	vld [tilespmem:s25+$0x8800]  }
0x9a: {  	v4 =	vadd.f32 v5, v4;
	v5 =	vmul.f32 v7, v6;
	v6 =	vld [tilespmem:s25+$0x4810]  }
0x9b: {  	v7 =	vld [tilespmem:s25+$0x8810]  }
0x9c: {  	v4 =	vadd.f32 v5, v4;
	v5 =	vmul.f32 v9, v8;
	v8 =	vld [tilespmem:s25+$0x4820]  }
0x9d: {  	v9 =	vld [tilespmem:s25+$0x8820]  }
0x9e: {  	v4 =	vadd.f32 v5, v4;
	v5 =	vmul.f32 v11, v10;
	v10 =	vld [tilespmem:s25+$0x4830]  }
0x9f: {  	v11 =	vld [tilespmem:s25+$0x8830]  }
0xa0: {  	v12 =	vld [tilespmem:s25+$0x8840];
	v4 =	vadd.f32 v5, v4;
	v5 =	vmul.f32 v7, v6  }
0xa1: {  	v7 =	vld [tilespmem:s25+$0x4840]  }
0xa2: {  	v13 =	vld [tilespmem:s25+$0x4850];
	v4 =	vadd.f32 v5, v4;
	v5 =	vmul.f32 v9, v8  }
0xa3: {  	v14 =	vld [tilespmem:s25+$0x8850]  }
0xa4: {  	s29 =	simm.s32 $0x200;
	v6 =	vld [tilespmem:s25+$0x8860];
	v8 =	vmul.f32 v11, v10;
	v4 =	vadd.f32 v5, v4  }
0xa5: {  	s30 =	simm.s32 $0x80;
	s28 =	sand.u32 $0x1000, s29;
	v5 =	vld [tilespmem:s25+$0x4860]  }
0xa6: {  	s31 =	sand.u32 $0x380, s30;
	s28 =	sor.u32 s26, s28;
	v10 =	vmul.f32 v12, v7;
	v7 =	vld [tilespmem:s25+$0x4870];
	v9 =	vadd.f32 v8, v4  }
0xa7: {  	s28 =	sor.u32 s31, s28;
	v8 =	vld [tilespmem:s25+$0x8870]  }
0xa8: {  	s31 =	simm.s32 $0x2;
	v11 =	vld [tilespmem:s28+$0x3C00];
	v4 =	vimm.f32 $0.0e+00;
	s25 =	simm.s32 $0x1;
	v9 =	vadd.f32 v10, v9;
	v10 =	vmul.f32 v14, v13  }
.LBB2_3:
0xa9: {  	p1 =	sne.s32 s31, $0xF;
	v12 =	vld [tilespmem:s28+$0x7C00]  }
0xaa: {  	v13 =	vld [tilespmem:s28+$0x3C10];
	v9 =	vadd.f32 v10, v9;
	v5 =	vmul.f32 v6, v5  }
0xab: {  	v6 =	vld [tilespmem:s28+$0x7C10]  }
0xac: {  	v10 =	vld [tilespmem:s28+$0x3C20];
	v5 =	vadd.f32 v5, v9;
	v7 =	vmul.f32 v8, v7  }
0xad: {  	v8 =	vld [tilespmem:s28+$0x7C20]  }
0xae: {  	v9 =	vld [tilespmem:s28+$0x3C30];
	v5 =	vadd.f32 v7, v5  }
0xaf: {  	v7 =	vld [tilespmem:s28+$0x7C30]  }
0xb0: {  	v11 =	vmul.f32 v12, v11;
	v6 =	vmul.f32 v6, v13;
	v12 =	vld [tilespmem:s28+$0x3C40];
	(xrf2) =	vadd.scan.msk.f32 $0xffff, v5  }
0xb1: {  	v5 =	vld [tilespmem:s28+$0x7C40]  }
0xb2: {  	v6 =	vadd.f32 v6, v11;
	v8 =	vmul.f32 v8, v10;
	v10 =	vld [tilespmem:s28+$0x3C50]  }
0xb3: {  	v11 =	vld [tilespmem:s28+$0x7C50]  }
0xb4: {  	v6 =	vadd.f32 v8, v6;
	v7 =	vmul.f32 v7, v9;
	v8 =	vld [tilespmem:s28+$0x3C60]  }
0xb5: {  	v9 =	vld [tilespmem:s28+$0x7C60]  }
0xb6: {  	v6 =	vadd.f32 v7, v6;
	v5 =	vmul.f32 v5, v12;
	v7 =	vld [tilespmem:s28+$0x3C70]  }
0xb7: {  	v12 =	vld [tilespmem:s28+$0x7C70]  }
0xb8: {  	v5 =	vadd.f32 v5, v6;
	v6 =	vmul.f32 v11, v10;
	v10 =	vld [tilespmem:s28+$0x4000]  }
0xb9: {  	v11 =	vld [tilespmem:s28+$0x8000]  }
0xba: {  	v5 =	vadd.f32 v6, v5;
	v6 =	vmul.f32 v9, v8;
	v8 =	vld [tilespmem:s28+$0x4010];
	v9, _, _ =	vpop (xrf2)  }
0xbb: {  	v14 =	vmov s24;
	s24 =	smov.u32 s25;
	s25 =	smov.u32 s31;
	v13 =	vld [tilespmem:s28+$0x8010];
	v9 =	vbroadcast v9, $0xF  }
0xbc: {  	vm1 =	veq.s32 v14, v0;
	v5 =	vadd.f32 v6, v5;
	v6 =	vmul.f32 v12, v7;
	v7 =	vld [tilespmem:s28+$0x4020]  }
0xbd: {  	v12 =	vld [tilespmem:s28+$0x8020];
	v4 =	vsel vm1, v9, v4  }
0xbe: {  	v5 =	vadd.f32 v6, v5;
	v6 =	vmul.f32 v11, v10;
	v9 =	vld [tilespmem:s28+$0x4030]  }
0xbf: {  	v10 =	vld [tilespmem:s28+$0x8030]  }
0xc0: {  	v5 =	vadd.f32 v6, v5;
	v6 =	vmul.f32 v13, v8;
	v8 =	vld [tilespmem:s28+$0x4040]  }
0xc1: {  	v11 =	vld [tilespmem:s28+$0x8040]  }
0xc2: {  	v5 =	vadd.f32 v6, v5;
	v6 =	vmul.f32 v12, v7;
	v7 =	vld [tilespmem:s28+$0x4050]  }
0xc3: {  	v12 =	vld [tilespmem:s28+$0x8050]  }
0xc4: {  	v5 =	vadd.f32 v6, v5;
	v6 =	vmul.f32 v10, v9;
	v9 =	vld [tilespmem:s28+$0x4060]  }
0xc5: {  	v10 =	vld [tilespmem:s28+$0x8060]  }
0xc6: {  	v5 =	vadd.f32 v6, v5;
	v6 =	vmul.f32 v11, v8;
	v8 =	vld [tilespmem:s28+$0x4070]  }
0xc7: {  	v11 =	vld [tilespmem:s28+$0x8070]  }
0xc8: {  	v5 =	vadd.f32 v6, v5;
	v6 =	vmul.f32 v12, v7;
	v7 =	vld [tilespmem:s28+$0x4400]  }
0xc9: {  	v12 =	vld [tilespmem:s28+$0x8400]  }
0xca: {  	v5 =	vadd.f32 v6, v5;
	v6 =	vmul.f32 v10, v9;
	v9 =	vld [tilespmem:s28+$0x4410]  }
0xcb: {  	v10 =	vld [tilespmem:s28+$0x8410]  }
0xcc: {  	v5 =	vadd.f32 v6, v5;
	v6 =	vmul.f32 v11, v8;
	v8 =	vld [tilespmem:s28+$0x4420]  }
0xcd: {  	v11 =	vld [tilespmem:s28+$0x8420]  }
0xce: {  	v5 =	vadd.f32 v6, v5;
	v6 =	vmul.f32 v12, v7;
	v7 =	vld [tilespmem:s28+$0x4430]  }
0xcf: {  	v12 =	vld [tilespmem:s28+$0x8430]  }
0xd0: {  	v5 =	vadd.f32 v6, v5;
	v6 =	vmul.f32 v10, v9;
	v9 =	vld [tilespmem:s28+$0x4440]  }
0xd1: {  	v10 =	vld [tilespmem:s28+$0x8440]  }
0xd2: {  	v5 =	vadd.f32 v6, v5;
	v6 =	vmul.f32 v11, v8;
	v8 =	vld [tilespmem:s28+$0x4450]  }
0xd3: {  	v11 =	vld [tilespmem:s28+$0x8450]  }
0xd4: {  	v5 =	vadd.f32 v6, v5;
	v6 =	vmul.f32 v12, v7;
	v7 =	vld [tilespmem:s28+$0x4460]  }
0xd5: {  	v12 =	vld [tilespmem:s28+$0x8460]  }
0xd6: {  	v5 =	vadd.f32 v6, v5;
	v6 =	vmul.f32 v10, v9;
	v9 =	vld [tilespmem:s28+$0x4470]  }
0xd7: {  	v10 =	vld [tilespmem:s28+$0x8470]  }
0xd8: {  	v5 =	vadd.f32 v6, v5;
	v6 =	vmul.f32 v11, v8;
	v8 =	vld [tilespmem:s28+$0x4800]  }
0xd9: {  	v11 =	vld [tilespmem:s28+$0x8800]  }
0xda: {  	v5 =	vadd.f32 v6, v5;
	v6 =	vmul.f32 v12, v7;
	v7 =	vld [tilespmem:s28+$0x4810]  }
0xdb: {  	v12 =	vld [tilespmem:s28+$0x8810]  }
0xdc: {  	v5 =	vadd.f32 v6, v5;
	v6 =	vmul.f32 v10, v9;
	v9 =	vld [tilespmem:s28+$0x4820]  }
0xdd: {  	v10 =	vld [tilespmem:s28+$0x8820]  }
0xde: {  	v5 =	vadd.f32 v6, v5;
	v6 =	vmul.f32 v11, v8;
	v8 =	vld [tilespmem:s28+$0x4830]  }
0xdf: {  	v11 =	vld [tilespmem:s28+$0x8830]  }
0xe0: {  	v5 =	vadd.f32 v6, v5;
	v6 =	vmul.f32 v12, v7;
	v7 =	vld [tilespmem:s28+$0x4840]  }
0xe1: {  	v12 =	vld [tilespmem:s28+$0x8840]  }
0xe2: {  	v5 =	vadd.f32 v6, v5;
	v6 =	vmul.f32 v10, v9;
	v10 =	vld [tilespmem:s28+$0x4850]  }
0xe3: {  	v13 =	vld [tilespmem:s28+$0x8850]  }
.Ltmp0:
0xe4: {  	s29 =	sadd.s32 $0x200, s29;
	v9 =	vadd.f32 v6, v5;
	v8 =	vmul.f32 v11, v8;
	v5 =	vld [tilespmem:s28+$0x4860];
	(pc) =	sbr.rel @p1 .LBB2_3-.Ltmp0, $4  }
0xe5: {  	s30 =	sadd.s32 $0x80, s30;
	s2 =	sand.u32 $0x1000, s29;
	v6 =	vld [tilespmem:s28+$0x8860]  }
0xe6: {  	s0 =	sand.u32 $0x380, s30;
	s2 =	sor.u32 s26, s2;
	v9 =	vadd.f32 v8, v9;
	v12 =	vmul.f32 v12, v7;
	v7 =	vld [tilespmem:s28+$0x4870]  }
0xe7: {  	v8 =	vld [tilespmem:s28+$0x8870];
	s28 =	sor.u32 s0, s2  }
0xe8: {  	s31 =	sadd.s32 $0x1, s31;
	v11 =	vld [tilespmem:s28+$0x3C00];
	v9 =	vadd.f32 v12, v9;
	v10 =	vmul.f32 v13, v10  }
0xe9: {  	v12 =	vld [tilespmem:s28+$0x7C00]  }
0xea: {  	v13 =	vld [tilespmem:s28+$0x3C10]  }
0xeb: {  	v14 =	vld [tilespmem:s28+$0x7C10]  }
0xec: {  	v15 =	vld [tilespmem:s28+$0x3C20]  }
0xed: {  	v16 =	vld [tilespmem:s28+$0x7C20]  }
0xee: {  	v17 =	vld [tilespmem:s28+$0x3C30]  }
0xef: {  	v18 =	vld [tilespmem:s28+$0x7C30]  }
0xf0: {  	v60 =	vld [tilespmem:s28+$0x3C40];
	v11 =	vmul.f32 v12, v11;
	v59 =	vmul.f32 v14, v13  }
0xf1: {  	v61 =	vld [tilespmem:s28+$0x7C40]  }
0xf2: {  	v63 =	vld [tilespmem:s28+$0x3C50];
	v62 =	vmul.f32 v16, v15;
	v11 =	vadd.f32 v59, v11  }
0xf3: {  	v21 =	vld [tilespmem:s28+$0x7C50]  }
0xf4: {  	v23 =	vld [tilespmem:s28+$0x3C60];
	v22 =	vmul.f32 v18, v17;
	v11 =	vadd.f32 v62, v11  }
0xf5: {  	v24 =	vld [tilespmem:s28+$0x7C60]  }
0xf6: {  	v26 =	vld [tilespmem:s28+$0x3C70];
	v25 =	vmul.f32 v61, v60;
	v11 =	vadd.f32 v22, v11  }
0xf7: {  	v27 =	vld [tilespmem:s28+$0x7C70]  }
0xf8: {  	v29 =	vld [tilespmem:s28+$0x4000];
	v28 =	vmul.f32 v21, v63;
	v11 =	vadd.f32 v25, v11  }
0xf9: {  	v30 =	vld [tilespmem:s28+$0x8000]  }
0xfa: {  	v32 =	vld [tilespmem:s28+$0x4010];
	v31 =	vmul.f32 v24, v23;
	v11 =	vadd.f32 v28, v11  }
0xfb: {  	v33 =	vld [tilespmem:s28+$0x8010]  }
0xfc: {  	v35 =	vld [tilespmem:s28+$0x4020];
	v34 =	vmul.f32 v27, v26;
	v11 =	vadd.f32 v31, v11  }
0xfd: {  	v36 =	vld [tilespmem:s28+$0x8020]  }
0xfe: {  	v38 =	vld [tilespmem:s28+$0x4030];
	v37 =	vmul.f32 v30, v29;
	v11 =	vadd.f32 v34, v11  }
0xff: {  	v39 =	vld [tilespmem:s28+$0x8030]  }
0x100: {  	v41 =	vld [tilespmem:s28+$0x4040];
	v40 =	vmul.f32 v33, v32;
	v11 =	vadd.f32 v37, v11  }
0x101: {  	v42 =	vld [tilespmem:s28+$0x8040]  }
0x102: {  	v44 =	vld [tilespmem:s28+$0x4050];
	v43 =	vmul.f32 v36, v35;
	v11 =	vadd.f32 v40, v11  }
0x103: {  	v45 =	vld [tilespmem:s28+$0x8050]  }
0x104: {  	v47 =	vld [tilespmem:s28+$0x4060];
	v46 =	vmul.f32 v39, v38;
	v11 =	vadd.f32 v43, v11  }
0x105: {  	v48 =	vld [tilespmem:s28+$0x8060]  }
0x106: {  	v50 =	vld [tilespmem:s28+$0x4070];
	v49 =	vmul.f32 v42, v41;
	v11 =	vadd.f32 v46, v11  }
0x107: {  	v51 =	vld [tilespmem:s28+$0x8070]  }
0x108: {  	v53 =	vld [tilespmem:s28+$0x4400];
	v52 =	vmul.f32 v45, v44;
	v11 =	vadd.f32 v49, v11  }
0x109: {  	v54 =	vld [tilespmem:s28+$0x8400]  }
0x10a: {  	v56 =	vld [tilespmem:s28+$0x4410];
	v55 =	vmul.f32 v48, v47;
	v11 =	vadd.f32 v52, v11  }
0x10b: {  	v57 =	vld [tilespmem:s28+$0x8410]  }
0x10c: {  	v58 =	vmul.f32 v51, v50;
	v60 =	vld [tilespmem:s28+$0x8420];
	v11 =	vadd.f32 v55, v11  }
0x10d: {  	v59 =	vld [tilespmem:s28+$0x4420]  }
0x10e: {  	v61 =	vmul.f32 v54, v53;
	v63 =	vld [tilespmem:s28+$0x8430];
	v11 =	vadd.f32 v58, v11  }
0x10f: {  	v62 =	vld [tilespmem:s28+$0x4430]  }
0x110: {  	v21 =	vmul.f32 v57, v56;
	v23 =	vld [tilespmem:s28+$0x8440];
	v11 =	vadd.f32 v61, v11  }
0x111: {  	v22 =	vld [tilespmem:s28+$0x4440]  }
0x112: {  	v26 =	vld [tilespmem:s28+$0x8450];
	v24 =	vmul.f32 v60, v59;
	v11 =	vadd.f32 v21, v11  }
0x113: {  	v25 =	vld [tilespmem:s28+$0x4450]  }
0x114: {  	v29 =	vld [tilespmem:s28+$0x8460];
	v27 =	vmul.f32 v63, v62;
	v11 =	vadd.f32 v24, v11  }
0x115: {  	v28 =	vld [tilespmem:s28+$0x4460]  }
0x116: {  	v32 =	vld [tilespmem:s28+$0x8470];
	v30 =	vmul.f32 v23, v22;
	v11 =	vadd.f32 v27, v11  }
0x117: {  	v31 =	vld [tilespmem:s28+$0x4470]  }
0x118: {  	v35 =	vld [tilespmem:s28+$0x8800];
	v33 =	vmul.f32 v26, v25;
	v11 =	vadd.f32 v30, v11  }
0x119: {  	v34 =	vld [tilespmem:s28+$0x4800]  }
0x11a: {  	v38 =	vld [tilespmem:s28+$0x8810];
	v36 =	vmul.f32 v29, v28;
	v11 =	vadd.f32 v33, v11  }
0x11b: {  	v37 =	vld [tilespmem:s28+$0x4810]  }
0x11c: {  	v41 =	vld [tilespmem:s28+$0x8820];
	v39 =	vmul.f32 v32, v31;
	v11 =	vadd.f32 v36, v11  }
0x11d: {  	v40 =	vld [tilespmem:s28+$0x4820]  }
0x11e: {  	v44 =	vld [tilespmem:s28+$0x8830];
	v42 =	vmul.f32 v35, v34;
	v11 =	vadd.f32 v39, v11  }
0x11f: {  	v43 =	vld [tilespmem:s28+$0x4830]  }
0x120: {  	v47 =	vld [tilespmem:s28+$0x8840];
	v45 =	vmul.f32 v38, v37;
	v11 =	vadd.f32 v42, v11  }
0x121: {  	v46 =	vld [tilespmem:s28+$0x4840]  }
0x122: {  	v50 =	vld [tilespmem:s28+$0x8850];
	v48 =	vmul.f32 v41, v40;
	v11 =	vadd.f32 v45, v11  }
0x123: {  	v49 =	vld [tilespmem:s28+$0x4850]  }
0x124: {  	v53 =	vld [tilespmem:s28+$0x8860];
	v51 =	vmul.f32 v44, v43;
	v11 =	vadd.f32 v48, v11  }
0x125: {  	v52 =	vld [tilespmem:s28+$0x4860]  }
0x126: {  	v56 =	vld [tilespmem:s28+$0x8870];
	v54 =	vmul.f32 v47, v46;
	v11 =	vadd.f32 v51, v11  }
0x127: {  	v55 =	vld [tilespmem:s28+$0x4870]  }
0x128: {  	v57 =	vmul.f32 v50, v49;
	v11 =	vadd.f32 v54, v11  }
0x129: {  	v9 =	vadd.f32 v10, v9;
	v5 =	vmul.f32 v6, v5  }
0x12a: {  	v59 =	vmul.f32 v53, v52;
	v58 =	vadd.f32 v57, v11  }
0x12b: {  	v5 =	vadd.f32 v5, v9;
	v7 =	vmul.f32 v8, v7  }
0x12c: {  	v60 =	vmul.f32 v56, v55;
	v6 =	vadd.f32 v59, v58  }
0x12d: {  	v5 =	vadd.f32 v7, v5  }
0x12e: {  	v6 =	vadd.f32 v60, v6  }
0x12f: {  	(xrf2) =	vadd.scan.msk.f32 $0xffff, v5  }
0x130: {  	(xrf2) =	vadd.scan.msk.f32 $0xffff, v6;
	_ =	sdelay $0x8  }
0x131: {  	v5, _, _ =	vpop (xrf2)  }
0x132: {  	v5 =	vbroadcast v5, $0xF;
	v61 =	vmov s24;
	v62, _, _ =	vpop (xrf2)  }
0x133: {  	v63 =	vmov s25;
	vm1 =	veq.s32 v61, v0;
	v7 =	vbroadcast v62, $0xF  }
0x134: {  	v4 =	vsel vm1, v5, v4;
	vm1 =	veq.s32 v63, v0  }
0x135: {  	v4 =	vsel vm1, v7, v4  }
0x136: {  	v4 =	vsub.f32 $0.0e+00, v4;
	_ =	sdelay $0x1  }
0x137: {  	v4 =	vmul.f32 $1.442695020e+00, v4;
	_ =	sdelay $0x1  }
0x138: {  	(erf) = vpow2.f32 v4;
	_ =	sdelay $0x8  }
0x139: {  	v4 =	vpop (erf)  }
0x13a: {  	v4 =	vadd.f32 $1.000000000e+00, v4;
	_ =	sdelay $0x1  }
0x13b: {  	(erf) = vrcp.f32 v4;
	_ =	sdelay $0x4  }
0x13c: {  	p1 =	sne.s32 s22, s4  }
.Ltmp1:
0x13d: {  	_ = 	snop;
	(pc) =	sbr.rel @p1 .LBB2_2-.Ltmp1, $4  }
0x13e: {  	_ = 	snop  }
0x13f: {  	s0 =	sshll.u32 s23, $0x6  }
0x140: {  	s0 =	sshra.s32 s0, $0x2;
	v4 =	vpop (erf)  }
0x141: {  	s23 =	smov.u32 s22;
	[tilespmem:s0+$0x2800] =	vst v4  }
0x142: {  	s0 =	simm.s32 @p0 $0x0;
	s2 =	simm.s32 @p0 $0x2800  }
0x143: {  	[hbm4b:s11+s0] =	stream.linear.scatter @p0 [tilespmem:s2], [sflag:$0x5], $0x1380, $0x38;
	[tilespmem:$0xBC00] =	vst v63  }
0x144: {  	s0 =	simm.s32 @p0 $0x5  }
0x145: {  	_ =	swait.ge @p0 [sflag:s0], $0x1380  }
0x146: {  	s21 =	sadd.s32 $0x1, s21;
	s2 =	simm.s32 @!p0 $0x2800;
	[sflag:s0] =	ssyncset.done @p0 $0x0  }
0x147: {  	p1 =	sne.s32 s21, s12;
	[sflag:s0] =	ssyncadd.s32 @p0 $0xFFFFEC80;
	s0 =	simm.s32 @!p0 $0x0  }
0x148: {  	[hbm4b:s10+s0] =	stream.linear.scatter @!p0 [tilespmem:s2], [sflag:$0x5], $0x1390, $0x38;
	[tilespmem:$0xBC00] =	vst v63  }
.Ltmp2:
0x149: {  	_ = 	snop;
	(pc) =	sbr.rel @p1 .LBB2_1-.Ltmp2, $4  }
0x14a: {  	s0 =	simm.s32 @!p0 $0x5  }
0x14b: {  	_ =	swait.ge @!p0 [sflag:s0], $0x1390  }
0x14c: {  	[sflag:s0] =	ssyncset.done @!p0 $0x0  }
0x14d: {  	[sflag:s0] =	ssyncadd.s32 @!p0 $0xFFFFEC70  }
0x14e: {  	_ =	sfence.sel $0x180000  }
0x14f: {  	[bflag:$0x0] =	sbarrier.arrive $0xFFFF  }
0x150: {  	_ =	strace $0x90000047  }
0x151: {  	s0 =	stileid.u32;
	[bflag:$0x2] =	sbarrier.arrive $0xFFFF  }
0x152: {  	p0 =	sne.s32 s0, $0x0;
	s0 =	rddreg [dreg:$0x3]  }
0x153: {  	s0 =	sadd.s32 @!p0 $0x100000, s0  }
0x154: {  	[sflag:s0] =	ssyncadd.tile.s32 @!p0 $0x1;
	_ =	shalt  }
.Lfunc_end2:
_tile_overlayer_lowered:
.L_overlay_start_2:
0x155: {  	(tag) =	ssettag $0x2  }
0x156: {  	s0 =	rddreg [dreg:$0x0];
	s2 =	stileid.u32  }
0x157: {  	s1 =	rddreg [dreg:$0x1];
	p0 =	sne.s32 s2, $0x0  }
0x158: {  	s3 =	rddreg [dreg:$0x2];
	[bflag:$0x3] =	sbarrier.arrive $0xFFFF;
	s2 =	simm.s32 @!p0 $0x1C05  }
0x159: {  	[timem:s3], [sflag:s2] =	dma.local @!p0 [hbm:s0], s1  }
0x15a: {  	s0 =	simm.s32 @!p0 $0x5  }
0x15b: {  	_ =	swait.ge @!p0 [sflag:s0], s1  }
0x15c: {  	s1 =	ssub.s32 @!p0 $0x0, s1;
	[sflag:s0] =	ssyncset.done @!p0 $0x0  }
0x15d: {  	[sflag:s0] =	ssyncadd.s32 @!p0 s1  }
0x15e: {  	[bflag:$0x3] =	sbarrier.arrive $0xFFFF  }
0x15f: {  	_ =	shalt  }

</sc_bundles>
